<compile_context>
chip_gen: v7x
topology: tpu7x:2x2x1
jax: 0.10.2.dev20260603
libtpu: 0.0.44.dev20260713+nightly
codegen_flags: <defaults>
</compile_context>

<pallas_src>
import functools

import jax
import jax.numpy as jnp
from jax import lax
from jax.experimental import pallas as pl
from jax.experimental.pallas import tpu as pltpu
from jax.experimental.pallas import tpu_sc as plsc

N = 10000
E = 320000
D = 128
C = 40

NUM_SC = 2
NUM_TILES = 16
LANES = 16
NWORK = NUM_SC * NUM_TILES

K = 128
IG = 8
CHUNKS_PER_WORKER = 80
EPW = CHUNKS_PER_WORKER * K
E_PAD = EPW * NWORK

NPAD = 10240
ROWS_PER_TILE = NPAD // NUM_TILES


def _sc_segment_sum_body(hw_hbm, src_hbm, dst_hbm, out_s,
                         s_sh, rows_v, src_v, dst_v):
    cid = lax.axis_index("c")
    sid = lax.axis_index("s")
    wid = cid * NUM_TILES + sid

    def _zero_row(i, _):
        for k8 in range(D // LANES):
            rows_v[i, pl.ds(k8 * LANES, LANES)] = jnp.zeros((LANES,), jnp.float32)
        return 0
    lax.fori_loop(0, K, _zero_row, 0)

    row0 = sid * ROWS_PER_TILE
    for q in range(ROWS_PER_TILE // K):
        pltpu.sync_copy(rows_v, s_sh.at[pl.ds(row0 + q * K, K)])

    plsc.subcore_barrier()

    ebase = wid * CHUNKS_PER_WORKER

    def _chunk(j, _):
        r = lax.rem(j, IG)

        @pl.when(r == 0)
        def _():
            gbase = pl.multiple_of(ebase + j, IG)
            pltpu.sync_copy(src_hbm.at[pl.ds(gbase, IG)], src_v)
            pltpu.sync_copy(dst_hbm.at[pl.ds(gbase, IG)], dst_v)

        pltpu.sync_copy(hw_hbm.at[src_v.at[r]], rows_v)
        pltpu.sync_copy(rows_v, s_sh.at[dst_v.at[r]], add=True)
        return 0

    lax.fori_loop(0, CHUNKS_PER_WORKER, _chunk, 0)

    plsc.subcore_barrier()

    pltpu.sync_copy(s_sh.at[pl.ds(row0, ROWS_PER_TILE)],
                    out_s.at[pl.ds(cid * NPAD + row0, ROWS_PER_TILE)])


def _make_sc_segment_sum():
    mesh = plsc.VectorSubcoreMesh(core_axis_name="c", subcore_axis_name="s",
                                  num_cores=NUM_SC, num_subcores=NUM_TILES)
    return pl.kernel(
        _sc_segment_sum_body,
        out_type=jax.ShapeDtypeStruct((NUM_SC * NPAD, D), jnp.float32),
        mesh=mesh,
        scratch_types=(
            pltpu.VMEM_SHARED((NPAD, D), jnp.float32),
            pltpu.VMEM((K, D), jnp.float32),
            pltpu.VMEM((IG, K), jnp.int32),
            pltpu.VMEM((IG, K), jnp.int32),
        ),
    )


_sc_seg = _make_sc_segment_sum()



RBLK = 512
GRID = NPAD // RBLK


def _mm_body(h, wm, out):
    out[...] = jnp.dot(h[...], wm[...], preferred_element_type=jnp.float32)


def _gru_body(head, s0, s1, h,
              wm, wz, uz, wr, ur, wh, uh,
              bz, br, bh, wfc, bfc, *outs):
    f32 = jnp.float32
    a = s0[...] + s1[...]
    hv = h[...]
    z = jax.nn.sigmoid(jnp.dot(a, wz[...], preferred_element_type=f32)
                       + jnp.dot(hv, uz[...], preferred_element_type=f32)
                       + bz[...])
    r = jax.nn.sigmoid(jnp.dot(a, wr[...], preferred_element_type=f32)
                       + jnp.dot(hv, ur[...], preferred_element_type=f32)
                       + br[...])
    ht = jnp.tanh(jnp.dot(a, wh[...], preferred_element_type=f32)
                  + jnp.dot(r * hv, uh[...], preferred_element_type=f32)
                  + bh[...])
    hn = (1.0 - z) * hv + z * ht
    if head:
        e = jnp.where(hn > 0, hn, jnp.exp(jnp.minimum(hn, 0.0)) - 1.0)
        outs[0][...] = (jnp.dot(e, wfc[...], preferred_element_type=f32)
                        + bfc[...])
    else:
        outs[0][...] = hn
        outs[1][...] = jnp.dot(hn, wm[...], preferred_element_type=f32)


ROW_SPEC = pl.BlockSpec((RBLK, D), lambda i: (i, 0))
W_SPEC = pl.BlockSpec((D, D), lambda i: (0, 0))
B_SPEC = pl.BlockSpec((1, D), lambda i: (0, 0))

_tc_mm = pl.pallas_call(
    _mm_body,
    grid=(GRID,),
    in_specs=[ROW_SPEC, W_SPEC],
    out_specs=ROW_SPEC,
    out_shape=jax.ShapeDtypeStruct((NPAD, D), jnp.float32),
)


def _make_tc_gru(head):
    in_specs = [ROW_SPEC, ROW_SPEC, ROW_SPEC,
                W_SPEC, W_SPEC, W_SPEC, W_SPEC, W_SPEC, W_SPEC, W_SPEC,
                B_SPEC, B_SPEC, B_SPEC, W_SPEC, B_SPEC]
    if head:
        out_specs = ROW_SPEC
        out_shape = jax.ShapeDtypeStruct((NPAD, D), jnp.float32)
    else:
        out_specs = (ROW_SPEC, ROW_SPEC)
        out_shape = (jax.ShapeDtypeStruct((NPAD, D), jnp.float32),
                     jax.ShapeDtypeStruct((NPAD, D), jnp.float32))
    return pl.pallas_call(
        functools.partial(_gru_body, head),
        grid=(GRID,),
        in_specs=in_specs,
        out_specs=out_specs,
        out_shape=out_shape,
    )


_tc_gru = _make_tc_gru(False)
_tc_gru_head = _make_tc_gru(True)


def kernel(x, edge_index, W_msg, b_msg, Wz, Uz, bz, Wr, Ur, br,
           Wh, Uh, bh, W_fc, b_fc):
    src = edge_index[0]
    dst = edge_index[1]
    pad_e = E_PAD - E
    src_p = jnp.concatenate([src, jnp.zeros((pad_e,), jnp.int32)])
    dst_p = jnp.concatenate([dst, jnp.full((pad_e,), N, jnp.int32)])
    src_p = src_p.reshape(E_PAD // K, K)
    dst_p = dst_p.reshape(E_PAD // K, K)
    x_p = jnp.pad(x, ((0, NPAD - N), (0, 0)))

    wfc_p = jnp.pad(W_fc, ((0, 0), (0, D - C)))
    bfc_p = jnp.pad(b_fc, (0, D - C)).reshape(1, D)
    bz2 = bz.reshape(1, D)
    br2 = br.reshape(1, D)
    bh2 = bh.reshape(1, D)

    hw0 = _tc_mm(x_p, W_msg)
    s_part = _sc_seg(hw0, src_p, dst_p)
    s0, s1 = s_part[:NPAD], s_part[NPAD:]

    h1, hw1 = _tc_gru(s0, s1, x_p,
                      W_msg, Wz, Uz, Wr, Ur, Wh, Uh,
                      bz2, br2, bh2, wfc_p, bfc_p)

    s_part2 = _sc_seg(hw1, src_p, dst_p)
    t0, t1 = s_part2[:NPAD], s_part2[NPAD:]

    logits_p = _tc_gru_head(t0, t1, h1,
                            W_msg, Wz, Uz, Wr, Ur, Wh, Uh,
                            bz2, br2, bh2, wfc_p, bfc_p)
    return logits_p[:N, :C]

# --- scband reference (transcript-rebuilt; emitter-appended) ---
"""Pipeline reference for scband-gnnclassifier-61503931679088 (READ-ONLY COPY).

The authoritative reference and input builder live on the scoring server;
editing this copy changes nothing except your own understanding.
"""

import jax, jax.numpy as jnp
import numpy as np

N = 10000
E = 320000
D = 128
C = 40
L = 2


def setup_inputs(seed: int = 0) -> dict:
    key = jax.random.key(seed)
    ks = jax.random.split(key, 16)
    s = 1.0 / np.sqrt(D)
    x = jax.random.normal(ks[0], (N, D), dtype=jnp.float32)
    edge_index = jax.random.randint(ks[1], (2, E), 0, N, dtype=jnp.int32)
    W_msg = jax.random.normal(ks[2], (D, D), dtype=jnp.float32) * s
    b_msg = jnp.zeros((D,), dtype=jnp.float32)
    Wz = jax.random.normal(ks[3], (D, D), dtype=jnp.float32) * s
    Uz = jax.random.normal(ks[4], (D, D), dtype=jnp.float32) * s
    bz = jnp.zeros((D,), dtype=jnp.float32)
    Wr = jax.random.normal(ks[5], (D, D), dtype=jnp.float32) * s
    Ur = jax.random.normal(ks[6], (D, D), dtype=jnp.float32) * s
    br = jnp.zeros((D,), dtype=jnp.float32)
    Wh = jax.random.normal(ks[7], (D, D), dtype=jnp.float32) * s
    Uh = jax.random.normal(ks[8], (D, D), dtype=jnp.float32) * s
    bh = jnp.zeros((D,), dtype=jnp.float32)
    W_fc = jax.random.normal(ks[9], (D, C), dtype=jnp.float32) * s
    b_fc = jnp.zeros((C,), dtype=jnp.float32)
    return {"x": x, "edge_index": edge_index, "W_msg": W_msg, "b_msg": b_msg,
            "Wz": Wz, "Uz": Uz, "bz": bz, "Wr": Wr, "Ur": Ur, "br": br,
            "Wh": Wh, "Uh": Uh, "bh": bh, "W_fc": W_fc, "b_fc": b_fc}


def reference(x, edge_index, W_msg, b_msg, Wz, Uz, bz, Wr, Ur, br, Wh, Uh, bh, W_fc, b_fc):
    # GGNN: L rounds of gated message passing with shared GRU update, then classifier head.
    src = edge_index[0]
    dst = edge_index[1]
    h = x
    for _ in range(L):
        # message: linear transform of source node states, scatter-add to destinations
        m = h[src] @ W_msg + b_msg
        a = jax.ops.segment_sum(m, dst, num_segments=N)
        # GRU update
        z = jax.nn.sigmoid(a @ Wz + h @ Uz + bz)
        r = jax.nn.sigmoid(a @ Wr + h @ Ur + br)
        h_tilde = jnp.tanh(a @ Wh + (r * h) @ Uh + bh)
        h = (1.0 - z) * h + z * h_tilde
    # classifier: fc(elu(node_emb))
    logits = jax.nn.elu(h) @ W_fc + b_fc
    return logits

if __name__ == "__main__":
    import jax
    _d = setup_inputs()
    print(jax.jit(kernel)(*tuple(_d.values())))

</pallas_src>

<mosaic_0001>
#map = affine_map<(d0, d1) -> (0, 0)>
module attributes {stable_mosaic.version = 14 : i64} {
  func.func @_sc_segment_sum_body(%arg0: i32, %arg1: i32, %arg2: memref<10240x128xf32, #tpu.memory_space<hbm>>, %arg3: memref<2560x128xi32, #tpu.memory_space<hbm>>, %arg4: memref<2560x128xi32, #tpu.memory_space<hbm>>, %arg5: memref<20480x128xf32, #tpu.memory_space<hbm>>, %arg6: memref<10240x128xf32, #tpu.memory_space<vmem_shared>>, %arg7: memref<128x128xf32, #tpu.memory_space<vmem>>, %arg8: memref<8x128xi32, #tpu.memory_space<vmem>>, %arg9: memref<8x128xi32, #tpu.memory_space<vmem>>) attributes {dimension_semantics = [#tpu.dimension_semantics<core_parallel>, #tpu.dimension_semantics<subcore_parallel>], iteration_bounds = array<i64: 2, 16>, scalar_prefetch = 0 : i64, scratch_operands = 4 : i64, tpu.core_type = #tpu.core_type<sc_vector_subcore>, window_params = [{transform_indices = #map}, {transform_indices = #map}, {transform_indices = #map}, {transform_indices = #map}]} {
    %mul3A = arith.constant 16 : i32
    %mul3A_0 = arith.muli %arg0, %mul3A : i32
    %add3A = arith.addi %mul3A_0, %arg1 : i32
    %scan3A = arith.constant 0 : i32
    %scan3A_1 = arith.constant 0 : i32
    %scan3A_2 = arith.constant 128 : i32
    %scan3A_3 = arith.addi %scan3A_1, %scan3A_2 : i32
    %scan3A_4 = arith.constant 1 : i32
    %scan3A_5 = scf.for %scan3A_32 = %scan3A_1 to %scan3A_3 step %scan3A_4 iter_args(%scan3A_33 = %scan3A) -> (i32)  : i32 {
      %broadcast_in_dim3A = arith.constant 0.000000e+00 : f32
      %broadcast_in_dim3A_34 = vector.broadcast %broadcast_in_dim3A : f32 to vector<16xf32>
      %swap3A = arith.index_cast %scan3A_32 : i32 to index
      %swap3A_35 = arith.constant 0 : index
      %swap3A_36 = tpu.vector_load %arg7[%swap3A, %swap3A_35] {strides = array<i32>} : memref<128x128xf32, #tpu.memory_space<vmem>>, vector<1x16xf32>,
      %swap3A_37 = vector.shape_cast %swap3A_36 : vector<1x16xf32> to vector<16xf32>
      %swap3A_38 = vector.shape_cast %broadcast_in_dim3A_34 : vector<16xf32> to vector<1x16xf32>
      tpu.vector_store %arg7[%swap3A, %swap3A_35], %swap3A_38 {strides = array<i32>} : memref<128x128xf32, #tpu.memory_space<vmem>>, vector<1x16xf32>,
      %broadcast_in_dim3A_39 = arith.constant 0.000000e+00 : f32
      %broadcast_in_dim3A_40 = vector.broadcast %broadcast_in_dim3A_39 : f32 to vector<16xf32>
      %swap3A_41 = arith.index_cast %scan3A_32 : i32 to index
      %swap3A_42 = arith.constant 16 : index
      %swap3A_43 = tpu.vector_load %arg7[%swap3A_41, %swap3A_42] {strides = array<i32>} : memref<128x128xf32, #tpu.memory_space<vmem>>, vector<1x16xf32>,
      %swap3A_44 = vector.shape_cast %swap3A_43 : vector<1x16xf32> to vector<16xf32>
      %swap3A_45 = vector.shape_cast %broadcast_in_dim3A_40 : vector<16xf32> to vector<1x16xf32>
      tpu.vector_store %arg7[%swap3A_41, %swap3A_42], %swap3A_45 {strides = array<i32>} : memref<128x128xf32, #tpu.memory_space<vmem>>, vector<1x16xf32>,
      %broadcast_in_dim3A_46 = arith.constant 0.000000e+00 : f32
      %broadcast_in_dim3A_47 = vector.broadcast %broadcast_in_dim3A_46 : f32 to vector<16xf32>
      %swap3A_48 = arith.index_cast %scan3A_32 : i32 to index
      %swap3A_49 = arith.constant 32 : index
      %swap3A_50 = tpu.vector_load %arg7[%swap3A_48, %swap3A_49] {strides = array<i32>} : memref<128x128xf32, #tpu.memory_space<vmem>>, vector<1x16xf32>,
      %swap3A_51 = vector.shape_cast %swap3A_50 : vector<1x16xf32> to vector<16xf32>
      %swap3A_52 = vector.shape_cast %broadcast_in_dim3A_47 : vector<16xf32> to vector<1x16xf32>
      tpu.vector_store %arg7[%swap3A_48, %swap3A_49], %swap3A_52 {strides = array<i32>} : memref<128x128xf32, #tpu.memory_space<vmem>>, vector<1x16xf32>,
      %broadcast_in_dim3A_53 = arith.constant 0.000000e+00 : f32
      %broadcast_in_dim3A_54 = vector.broadcast %broadcast_in_dim3A_53 : f32 to vector<16xf32>
      %swap3A_55 = arith.index_cast %scan3A_32 : i32 to index
      %swap3A_56 = arith.constant 48 : index
      %swap3A_57 = tpu.vector_load %arg7[%swap3A_55, %swap3A_56] {strides = array<i32>} : memref<128x128xf32, #tpu.memory_space<vmem>>, vector<1x16xf32>,
      %swap3A_58 = vector.shape_cast %swap3A_57 : vector<1x16xf32> to vector<16xf32>
      %swap3A_59 = vector.shape_cast %broadcast_in_dim3A_54 : vector<16xf32> to vector<1x16xf32>
      tpu.vector_store %arg7[%swap3A_55, %swap3A_56], %swap3A_59 {strides = array<i32>} : memref<128x128xf32, #tpu.memory_space<vmem>>, vector<1x16xf32>,
      %broadcast_in_dim3A_60 = arith.constant 0.000000e+00 : f32
      %broadcast_in_dim3A_61 = vector.broadcast %broadcast_in_dim3A_60 : f32 to vector<16xf32>
      %swap3A_62 = arith.index_cast %scan3A_32 : i32 to index
      %swap3A_63 = arith.constant 64 : index
      %swap3A_64 = tpu.vector_load %arg7[%swap3A_62, %swap3A_63] {strides = array<i32>} : memref<128x128xf32, #tpu.memory_space<vmem>>, vector<1x16xf32>,
      %swap3A_65 = vector.shape_cast %swap3A_64 : vector<1x16xf32> to vector<16xf32>
      %swap3A_66 = vector.shape_cast %broadcast_in_dim3A_61 : vector<16xf32> to vector<1x16xf32>
      tpu.vector_store %arg7[%swap3A_62, %swap3A_63], %swap3A_66 {strides = array<i32>} : memref<128x128xf32, #tpu.memory_space<vmem>>, vector<1x16xf32>,
      %broadcast_in_dim3A_67 = arith.constant 0.000000e+00 : f32
      %broadcast_in_dim3A_68 = vector.broadcast %broadcast_in_dim3A_67 : f32 to vector<16xf32>
      %swap3A_69 = arith.index_cast %scan3A_32 : i32 to index
      %swap3A_70 = arith.constant 80 : index
      %swap3A_71 = tpu.vector_load %arg7[%swap3A_69, %swap3A_70] {strides = array<i32>} : memref<128x128xf32, #tpu.memory_space<vmem>>, vector<1x16xf32>,
      %swap3A_72 = vector.shape_cast %swap3A_71 : vector<1x16xf32> to vector<16xf32>
      %swap3A_73 = vector.shape_cast %broadcast_in_dim3A_68 : vector<16xf32> to vector<1x16xf32>
      tpu.vector_store %arg7[%swap3A_69, %swap3A_70], %swap3A_73 {strides = array<i32>} : memref<128x128xf32, #tpu.memory_space<vmem>>, vector<1x16xf32>,
      %broadcast_in_dim3A_74 = arith.constant 0.000000e+00 : f32
      %broadcast_in_dim3A_75 = vector.broadcast %broadcast_in_dim3A_74 : f32 to vector<16xf32>
      %swap3A_76 = arith.index_cast %scan3A_32 : i32 to index
      %swap3A_77 = arith.constant 96 : index
      %swap3A_78 = tpu.vector_load %arg7[%swap3A_76, %swap3A_77] {strides = array<i32>} : memref<128x128xf32, #tpu.memory_space<vmem>>, vector<1x16xf32>,
      %swap3A_79 = vector.shape_cast %swap3A_78 : vector<1x16xf32> to vector<16xf32>
      %swap3A_80 = vector.shape_cast %broadcast_in_dim3A_75 : vector<16xf32> to vector<1x16xf32>
      tpu.vector_store %arg7[%swap3A_76, %swap3A_77], %swap3A_80 {strides = array<i32>} : memref<128x128xf32, #tpu.memory_space<vmem>>, vector<1x16xf32>,
      %broadcast_in_dim3A_81 = arith.constant 0.000000e+00 : f32
      %broadcast_in_dim3A_82 = vector.broadcast %broadcast_in_dim3A_81 : f32 to vector<16xf32>
      %swap3A_83 = arith.index_cast %scan3A_32 : i32 to index
      %swap3A_84 = arith.constant 112 : index
      %swap3A_85 = tpu.vector_load %arg7[%swap3A_83, %swap3A_84] {strides = array<i32>} : memref<128x128xf32, #tpu.memory_space<vmem>>, vector<1x16xf32>,
      %swap3A_86 = vector.shape_cast %swap3A_85 : vector<1x16xf32> to vector<16xf32>
      %swap3A_87 = vector.shape_cast %broadcast_in_dim3A_82 : vector<16xf32> to vector<1x16xf32>
      tpu.vector_store %arg7[%swap3A_83, %swap3A_84], %swap3A_87 {strides = array<i32>} : memref<128x128xf32, #tpu.memory_space<vmem>>, vector<1x16xf32>,
      %scan3A_88 = arith.constant 0 : i32
      scf.yield %scan3A_88 : i32
    }
    %scan3A_6 = arith.constant 128 : i32
    %mul3A_7 = arith.constant 640 : i32
    %mul3A_8 = arith.muli %arg1, %mul3A_7 : i32
    %add3A_9 = arith.constant 0 : i32
    %add3A_10 = arith.addi %mul3A_8, %add3A_9 : i32
    "tpu.region"() ({
      %run_scoped3A = tpu.sem_alloc : memref<!tpu.dma_semaphore, #tpu.memory_space<semaphore_mem>>
      %dma_start3A = arith.constant 0 : i32
      %dma_start3A_32 = tpu.memref_slice %arg6[%add3A_10, %dma_start3A] : memref<10240x128xf32, #tpu.memory_space<vmem_shared>> -> memref<128x128xf32, #tpu.memory_space<vmem_shared>>
      %dma_start3A_33 = arith.constant 0 : i32
      %dma_start3A_34 = tpu.memref_slice %arg6[%add3A_10, %dma_start3A_33] : memref<10240x128xf32, #tpu.memory_space<vmem_shared>> -> memref<128x128xf32, #tpu.memory_space<vmem_shared>>
      tpu.enqueue_dma source(%arg7 : memref<128x128xf32, #tpu.memory_space<vmem>>) target(%dma_start3A_34 : memref<128x128xf32, #tpu.memory_space<vmem_shared>>) target_semaphore(%run_scoped3A : memref<!tpu.dma_semaphore, #tpu.memory_space<semaphore_mem>>)
      %dma_wait3A = arith.constant 0 : i32
      %dma_wait3A_35 = tpu.memref_slice %arg6[%add3A_10, %dma_wait3A] : memref<10240x128xf32, #tpu.memory_space<vmem_shared>> -> memref<128x128xf32, #tpu.memory_space<vmem_shared>>
      %dma_wait3A_36 = arith.constant 0 : i32
      %dma_wait3A_37 = tpu.memref_slice %arg6[%add3A_10, %dma_wait3A_36] : memref<10240x128xf32, #tpu.memory_space<vmem_shared>> -> memref<128x128xf32, #tpu.memory_space<vmem_shared>>
      tpu.wait_dma2 semaphore(%run_scoped3A : memref<!tpu.dma_semaphore, #tpu.memory_space<semaphore_mem>>) src(%arg7 : memref<128x128xf32, #tpu.memory_space<vmem>>) dst(%dma_wait3A_37 : memref<128x128xf32, #tpu.memory_space<vmem_shared>>)
      tpu.yield
    }) : () -> ()
    %add3A_11 = arith.constant 128 : i32
    %add3A_12 = arith.addi %mul3A_8, %add3A_11 : i32
    "tpu.region"() ({
      %run_scoped3A = tpu.sem_alloc : memref<!tpu.dma_semaphore, #tpu.memory_space<semaphore_mem>>
      %dma_start3A = arith.constant 0 : i32
      %dma_start3A_32 = tpu.memref_slice %arg6[%add3A_12, %dma_start3A] : memref<10240x128xf32, #tpu.memory_space<vmem_shared>> -> memref<128x128xf32, #tpu.memory_space<vmem_shared>>
      %dma_start3A_33 = arith.constant 0 : i32
      %dma_start3A_34 = tpu.memref_slice %arg6[%add3A_12, %dma_start3A_33] : memref<10240x128xf32, #tpu.memory_space<vmem_shared>> -> memref<128x128xf32, #tpu.memory_space<vmem_shared>>
      tpu.enqueue_dma source(%arg7 : memref<128x128xf32, #tpu.memory_space<vmem>>) target(%dma_start3A_34 : memref<128x128xf32, #tpu.memory_space<vmem_shared>>) target_semaphore(%run_scoped3A : memref<!tpu.dma_semaphore, #tpu.memory_space<semaphore_mem>>)
      %dma_wait3A = arith.constant 0 : i32
      %dma_wait3A_35 = tpu.memref_slice %arg6[%add3A_12, %dma_wait3A] : memref<10240x128xf32, #tpu.memory_space<vmem_shared>> -> memref<128x128xf32, #tpu.memory_space<vmem_shared>>
      %dma_wait3A_36 = arith.constant 0 : i32
      %dma_wait3A_37 = tpu.memref_slice %arg6[%add3A_12, %dma_wait3A_36] : memref<10240x128xf32, #tpu.memory_space<vmem_shared>> -> memref<128x128xf32, #tpu.memory_space<vmem_shared>>
      tpu.wait_dma2 semaphore(%run_scoped3A : memref<!tpu.dma_semaphore, #tpu.memory_space<semaphore_mem>>) src(%arg7 : memref<128x128xf32, #tpu.memory_space<vmem>>) dst(%dma_wait3A_37 : memref<128x128xf32, #tpu.memory_space<vmem_shared>>)
      tpu.yield
    }) : () -> ()
    %add3A_13 = arith.constant 256 : i32
    %add3A_14 = arith.addi %mul3A_8, %add3A_13 : i32
    "tpu.region"() ({
      %run_scoped3A = tpu.sem_alloc : memref<!tpu.dma_semaphore, #tpu.memory_space<semaphore_mem>>
      %dma_start3A = arith.constant 0 : i32
      %dma_start3A_32 = tpu.memref_slice %arg6[%add3A_14, %dma_start3A] : memref<10240x128xf32, #tpu.memory_space<vmem_shared>> -> memref<128x128xf32, #tpu.memory_space<vmem_shared>>
      %dma_start3A_33 = arith.constant 0 : i32
      %dma_start3A_34 = tpu.memref_slice %arg6[%add3A_14, %dma_start3A_33] : memref<10240x128xf32, #tpu.memory_space<vmem_shared>> -> memref<128x128xf32, #tpu.memory_space<vmem_shared>>
      tpu.enqueue_dma source(%arg7 : memref<128x128xf32, #tpu.memory_space<vmem>>) target(%dma_start3A_34 : memref<128x128xf32, #tpu.memory_space<vmem_shared>>) target_semaphore(%run_scoped3A : memref<!tpu.dma_semaphore, #tpu.memory_space<semaphore_mem>>)
      %dma_wait3A = arith.constant 0 : i32
      %dma_wait3A_35 = tpu.memref_slice %arg6[%add3A_14, %dma_wait3A] : memref<10240x128xf32, #tpu.memory_space<vmem_shared>> -> memref<128x128xf32, #tpu.memory_space<vmem_shared>>
      %dma_wait3A_36 = arith.constant 0 : i32
      %dma_wait3A_37 = tpu.memref_slice %arg6[%add3A_14, %dma_wait3A_36] : memref<10240x128xf32, #tpu.memory_space<vmem_shared>> -> memref<128x128xf32, #tpu.memory_space<vmem_shared>>
      tpu.wait_dma2 semaphore(%run_scoped3A : memref<!tpu.dma_semaphore, #tpu.memory_space<semaphore_mem>>) src(%arg7 : memref<128x128xf32, #tpu.memory_space<vmem>>) dst(%dma_wait3A_37 : memref<128x128xf32, #tpu.memory_space<vmem_shared>>)
      tpu.yield
    }) : () -> ()
    %add3A_15 = arith.constant 384 : i32
    %add3A_16 = arith.addi %mul3A_8, %add3A_15 : i32
    "tpu.region"() ({
      %run_scoped3A = tpu.sem_alloc : memref<!tpu.dma_semaphore, #tpu.memory_space<semaphore_mem>>
      %dma_start3A = arith.constant 0 : i32
      %dma_start3A_32 = tpu.memref_slice %arg6[%add3A_16, %dma_start3A] : memref<10240x128xf32, #tpu.memory_space<vmem_shared>> -> memref<128x128xf32, #tpu.memory_space<vmem_shared>>
      %dma_start3A_33 = arith.constant 0 : i32
      %dma_start3A_34 = tpu.memref_slice %arg6[%add3A_16, %dma_start3A_33] : memref<10240x128xf32, #tpu.memory_space<vmem_shared>> -> memref<128x128xf32, #tpu.memory_space<vmem_shared>>
      tpu.enqueue_dma source(%arg7 : memref<128x128xf32, #tpu.memory_space<vmem>>) target(%dma_start3A_34 : memref<128x128xf32, #tpu.memory_space<vmem_shared>>) target_semaphore(%run_scoped3A : memref<!tpu.dma_semaphore, #tpu.memory_space<semaphore_mem>>)
      %dma_wait3A = arith.constant 0 : i32
      %dma_wait3A_35 = tpu.memref_slice %arg6[%add3A_16, %dma_wait3A] : memref<10240x128xf32, #tpu.memory_space<vmem_shared>> -> memref<128x128xf32, #tpu.memory_space<vmem_shared>>
      %dma_wait3A_36 = arith.constant 0 : i32
      %dma_wait3A_37 = tpu.memref_slice %arg6[%add3A_16, %dma_wait3A_36] : memref<10240x128xf32, #tpu.memory_space<vmem_shared>> -> memref<128x128xf32, #tpu.memory_space<vmem_shared>>
      tpu.wait_dma2 semaphore(%run_scoped3A : memref<!tpu.dma_semaphore, #tpu.memory_space<semaphore_mem>>) src(%arg7 : memref<128x128xf32, #tpu.memory_space<vmem>>) dst(%dma_wait3A_37 : memref<128x128xf32, #tpu.memory_space<vmem_shared>>)
      tpu.yield
    }) : () -> ()
    %add3A_17 = arith.constant 512 : i32
    %add3A_18 = arith.addi %mul3A_8, %add3A_17 : i32
    "tpu.region"() ({
      %run_scoped3A = tpu.sem_alloc : memref<!tpu.dma_semaphore, #tpu.memory_space<semaphore_mem>>
      %dma_start3A = arith.constant 0 : i32
      %dma_start3A_32 = tpu.memref_slice %arg6[%add3A_18, %dma_start3A] : memref<10240x128xf32, #tpu.memory_space<vmem_shared>> -> memref<128x128xf32, #tpu.memory_space<vmem_shared>>
      %dma_start3A_33 = arith.constant 0 : i32
      %dma_start3A_34 = tpu.memref_slice %arg6[%add3A_18, %dma_start3A_33] : memref<10240x128xf32, #tpu.memory_space<vmem_shared>> -> memref<128x128xf32, #tpu.memory_space<vmem_shared>>
      tpu.enqueue_dma source(%arg7 : memref<128x128xf32, #tpu.memory_space<vmem>>) target(%dma_start3A_34 : memref<128x128xf32, #tpu.memory_space<vmem_shared>>) target_semaphore(%run_scoped3A : memref<!tpu.dma_semaphore, #tpu.memory_space<semaphore_mem>>)
      %dma_wait3A = arith.constant 0 : i32
      %dma_wait3A_35 = tpu.memref_slice %arg6[%add3A_18, %dma_wait3A] : memref<10240x128xf32, #tpu.memory_space<vmem_shared>> -> memref<128x128xf32, #tpu.memory_space<vmem_shared>>
      %dma_wait3A_36 = arith.constant 0 : i32
      %dma_wait3A_37 = tpu.memref_slice %arg6[%add3A_18, %dma_wait3A_36] : memref<10240x128xf32, #tpu.memory_space<vmem_shared>> -> memref<128x128xf32, #tpu.memory_space<vmem_shared>>
      tpu.wait_dma2 semaphore(%run_scoped3A : memref<!tpu.dma_semaphore, #tpu.memory_space<semaphore_mem>>) src(%arg7 : memref<128x128xf32, #tpu.memory_space<vmem>>) dst(%dma_wait3A_37 : memref<128x128xf32, #tpu.memory_space<vmem_shared>>)
      tpu.yield
    }) : () -> ()
    %barrier3A = arith.constant 0 : index
    tpu.barrier barrier_id(%barrier3A)
    %mul3A_19 = arith.constant 80 : i32
    %mul3A_20 = arith.muli %add3A, %mul3A_19 : i32
    %scan3A_21 = arith.constant 0 : i32
    %scan3A_22 = arith.constant 0 : i32
    %scan3A_23 = arith.constant 80 : i32
    %scan3A_24 = arith.addi %scan3A_22, %scan3A_23 : i32
    %scan3A_25 = arith.constant 1 : i32
    %scan3A_26 = scf.for %scan3A_32 = %scan3A_22 to %scan3A_24 step %scan3A_25 iter_args(%scan3A_33 = %scan3A_21) -> (i32)  : i32 {
      %rem3A = arith.constant 8 : i32
      %rem3A_34 = arith.remsi %scan3A_32, %rem3A : i32
      %eq3A = arith.constant 0 : i32
      %eq3A_35 = arith.cmpi eq, %rem3A_34, %eq3A : i32
      %convert_element_type3A = arith.extui %eq3A_35 : i1 to i32
      %cond3A = arith.constant 0 : i32
      %cond3A_36 = arith.cmpi ne, %convert_element_type3A, %cond3A : i32
      scf.if %cond3A_36 {
        %add3A_38 = arith.addi %mul3A_20, %scan3A_32 : i32
        %multiple_of3A = tpu.assume_multiple %add3A_38, 8 : i32
        "tpu.region"() ({
          %run_scoped3A = tpu.sem_alloc : memref<!tpu.dma_semaphore, #tpu.memory_space<semaphore_mem>>
          %dma_start3A = arith.constant 0 : i32
          %dma_start3A_39 = tpu.memref_slice %arg3[%multiple_of3A, %dma_start3A] : memref<2560x128xi32, #tpu.memory_space<hbm>> -> memref<8x128xi32, #tpu.memory_space<hbm>>
          %dma_start3A_40 = arith.constant 0 : i32
          %dma_start3A_41 = tpu.memref_slice %arg3[%multiple_of3A, %dma_start3A_40] : memref<2560x128xi32, #tpu.memory_space<hbm>> -> memref<8x128xi32, #tpu.memory_space<hbm>>
          tpu.enqueue_dma source(%dma_start3A_41 : memref<8x128xi32, #tpu.memory_space<hbm>>) target(%arg8 : memref<8x128xi32, #tpu.memory_space<vmem>>) target_semaphore(%run_scoped3A : memref<!tpu.dma_semaphore, #tpu.memory_space<semaphore_mem>>)
          %dma_wait3A = arith.constant 0 : i32
          %dma_wait3A_42 = tpu.memref_slice %arg3[%multiple_of3A, %dma_wait3A] : memref<2560x128xi32, #tpu.memory_space<hbm>> -> memref<8x128xi32, #tpu.memory_space<hbm>>
          %dma_wait3A_43 = arith.constant 0 : i32
          %dma_wait3A_44 = tpu.memref_slice %arg3[%multiple_of3A, %dma_wait3A_43] : memref<2560x128xi32, #tpu.memory_space<hbm>> -> memref<8x128xi32, #tpu.memory_space<hbm>>
          tpu.wait_dma2 semaphore(%run_scoped3A : memref<!tpu.dma_semaphore, #tpu.memory_space<semaphore_mem>>) src(%dma_wait3A_44 : memref<8x128xi32, #tpu.memory_space<hbm>>) dst(%arg8 : memref<8x128xi32, #tpu.memory_space<vmem>>)
          tpu.yield
        }) : () -> ()
        "tpu.region"() ({
          %run_scoped3A = tpu.sem_alloc : memref<!tpu.dma_semaphore, #tpu.memory_space<semaphore_mem>>
          %dma_start3A = arith.constant 0 : i32
          %dma_start3A_39 = tpu.memref_slice %arg4[%multiple_of3A, %dma_start3A] : memref<2560x128xi32, #tpu.memory_space<hbm>> -> memref<8x128xi32, #tpu.memory_space<hbm>>
          %dma_start3A_40 = arith.constant 0 : i32
          %dma_start3A_41 = tpu.memref_slice %arg4[%multiple_of3A, %dma_start3A_40] : memref<2560x128xi32, #tpu.memory_space<hbm>> -> memref<8x128xi32, #tpu.memory_space<hbm>>
          tpu.enqueue_dma source(%dma_start3A_41 : memref<8x128xi32, #tpu.memory_space<hbm>>) target(%arg9 : memref<8x128xi32, #tpu.memory_space<vmem>>) target_semaphore(%run_scoped3A : memref<!tpu.dma_semaphore, #tpu.memory_space<semaphore_mem>>)
          %dma_wait3A = arith.constant 0 : i32
          %dma_wait3A_42 = tpu.memref_slice %arg4[%multiple_of3A, %dma_wait3A] : memref<2560x128xi32, #tpu.memory_space<hbm>> -> memref<8x128xi32, #tpu.memory_space<hbm>>
          %dma_wait3A_43 = arith.constant 0 : i32
          %dma_wait3A_44 = tpu.memref_slice %arg4[%multiple_of3A, %dma_wait3A_43] : memref<2560x128xi32, #tpu.memory_space<hbm>> -> memref<8x128xi32, #tpu.memory_space<hbm>>
          tpu.wait_dma2 semaphore(%run_scoped3A : memref<!tpu.dma_semaphore, #tpu.memory_space<semaphore_mem>>) src(%dma_wait3A_44 : memref<8x128xi32, #tpu.memory_space<hbm>>) dst(%arg9 : memref<8x128xi32, #tpu.memory_space<vmem>>)
          tpu.yield
        }) : () -> ()
      } else {
      }
      "tpu.region"() ({
        %run_scoped3A = tpu.sem_alloc : memref<!tpu.dma_semaphore, #tpu.memory_space<semaphore_mem>>
        %dma_start3A = arith.constant 0 : i32
        %dma_start3A_38 = tpu.memref_slice %arg8[%rem3A_34, %dma_start3A] : memref<8x128xi32, #tpu.memory_space<vmem>> -> memref<1x128xi32, #tpu.memory_space<vmem>>
        %dma_start3A_39 = tpu.memref_squeeze %dma_start3A_38 : memref<1x128xi32, #tpu.memory_space<vmem>> -> memref<128xi32, #tpu.memory_space<vmem>>
        %dma_start3A_40 = arith.constant 0 : i32
        %dma_start3A_41 = arith.constant 0 : i32
        %dma_start3A_42 = tpu.memref_slice %arg2[%dma_start3A_40, %dma_start3A_41] : memref<10240x128xf32, #tpu.memory_space<hbm>> -> memref<10240x128xf32, #tpu.memory_space<hbm>>
        tpu.enqueue_indirect_dma source(%dma_start3A_42 : memref<10240x128xf32, #tpu.memory_space<hbm>>) target(%arg7 : memref<128x128xf32, #tpu.memory_space<vmem>>) offsets(%dma_start3A_39 : memref<128xi32, #tpu.memory_space<vmem>>) semaphore(%run_scoped3A : memref<!tpu.dma_semaphore, #tpu.memory_space<semaphore_mem>>)
        %dma_wait3A = arith.constant 0 : i32
        %dma_wait3A_43 = tpu.memref_slice %arg8[%rem3A_34, %dma_wait3A] : memref<8x128xi32, #tpu.memory_space<vmem>> -> memref<1x128xi32, #tpu.memory_space<vmem>>
        %dma_wait3A_44 = tpu.memref_squeeze %dma_wait3A_43 : memref<1x128xi32, #tpu.memory_space<vmem>> -> memref<128xi32, #tpu.memory_space<vmem>>
        %dma_wait3A_45 = arith.constant 0 : i32
        %dma_wait3A_46 = arith.constant 0 : i32
        %dma_wait3A_47 = tpu.memref_slice %arg2[%dma_wait3A_45, %dma_wait3A_46] : memref<10240x128xf32, #tpu.memory_space<hbm>> -> memref<10240x128xf32, #tpu.memory_space<hbm>>
        tpu.wait_indirect_dma semaphore(%run_scoped3A : memref<!tpu.dma_semaphore, #tpu.memory_space<semaphore_mem>>) src(%dma_wait3A_47 : memref<10240x128xf32, #tpu.memory_space<hbm>>) dst(%arg7 : memref<128x128xf32, #tpu.memory_space<vmem>>)
        tpu.yield
      }) : () -> ()
      "tpu.region"() ({
        %run_scoped3A = tpu.sem_alloc : memref<!tpu.dma_semaphore, #tpu.memory_space<semaphore_mem>>
        %dma_start3A = arith.constant 0 : i32
        %dma_start3A_38 = tpu.memref_slice %arg9[%rem3A_34, %dma_start3A] : memref<8x128xi32, #tpu.memory_space<vmem>> -> memref<1x128xi32, #tpu.memory_space<vmem>>
        %dma_start3A_39 = tpu.memref_squeeze %dma_start3A_38 : memref<1x128xi32, #tpu.memory_space<vmem>> -> memref<128xi32, #tpu.memory_space<vmem>>
        %dma_start3A_40 = arith.constant 0 : i32
        %dma_start3A_41 = arith.constant 0 : i32
        %dma_start3A_42 = tpu.memref_slice %arg6[%dma_start3A_40, %dma_start3A_41] : memref<10240x128xf32, #tpu.memory_space<vmem_shared>> -> memref<10240x128xf32, #tpu.memory_space<vmem_shared>>
        tpu.enqueue_indirect_dma source(%arg7 : memref<128x128xf32, #tpu.memory_space<vmem>>) target(%dma_start3A_42 : memref<10240x128xf32, #tpu.memory_space<vmem_shared>>) offsets(%dma_start3A_39 : memref<128xi32, #tpu.memory_space<vmem>>) semaphore(%run_scoped3A : memref<!tpu.dma_semaphore, #tpu.memory_space<semaphore_mem>>) {add = true}
        %dma_wait3A = arith.constant 0 : i32
        %dma_wait3A_43 = tpu.memref_slice %arg9[%rem3A_34, %dma_wait3A] : memref<8x128xi32, #tpu.memory_space<vmem>> -> memref<1x128xi32, #tpu.memory_space<vmem>>
        %dma_wait3A_44 = tpu.memref_squeeze %dma_wait3A_43 : memref<1x128xi32, #tpu.memory_space<vmem>> -> memref<128xi32, #tpu.memory_space<vmem>>
        %dma_wait3A_45 = arith.constant 0 : i32
        %dma_wait3A_46 = arith.constant 0 : i32
        %dma_wait3A_47 = tpu.memref_slice %arg6[%dma_wait3A_45, %dma_wait3A_46] : memref<10240x128xf32, #tpu.memory_space<vmem_shared>> -> memref<10240x128xf32, #tpu.memory_space<vmem_shared>>
        tpu.wait_indirect_dma semaphore(%run_scoped3A : memref<!tpu.dma_semaphore, #tpu.memory_space<semaphore_mem>>) src(%arg7 : memref<128x128xf32, #tpu.memory_space<vmem>>) dst(%dma_wait3A_47 : memref<10240x128xf32, #tpu.memory_space<vmem_shared>>)
        tpu.yield
      }) : () -> ()
      %scan3A_37 = arith.constant 0 : i32
      scf.yield %scan3A_37 : i32
    }
    %scan3A_27 = arith.constant 80 : i32
    %barrier3A_28 = arith.constant 0 : index
    tpu.barrier barrier_id(%barrier3A_28)
    %mul3A_29 = arith.constant 10240 : i32
    %mul3A_30 = arith.muli %arg0, %mul3A_29 : i32
    %add3A_31 = arith.addi %mul3A_30, %mul3A_8 : i32
    "tpu.region"() ({
      %run_scoped3A = tpu.sem_alloc : memref<!tpu.dma_semaphore, #tpu.memory_space<semaphore_mem>>
      %dma_start3A = arith.constant 0 : i32
      %dma_start3A_32 = tpu.memref_slice %arg5[%add3A_31, %dma_start3A] : memref<20480x128xf32, #tpu.memory_space<hbm>> -> memref<640x128xf32, #tpu.memory_space<hbm>>
      %dma_start3A_33 = arith.constant 0 : i32
      %dma_start3A_34 = tpu.memref_slice %arg6[%mul3A_8, %dma_start3A_33] : memref<10240x128xf32, #tpu.memory_space<vmem_shared>> -> memref<640x128xf32, #tpu.memory_space<vmem_shared>>
      tpu.enqueue_dma source(%dma_start3A_34 : memref<640x128xf32, #tpu.memory_space<vmem_shared>>) target(%dma_start3A_32 : memref<640x128xf32, #tpu.memory_space<hbm>>) target_semaphore(%run_scoped3A : memref<!tpu.dma_semaphore, #tpu.memory_space<semaphore_mem>>)
      %dma_wait3A = arith.constant 0 : i32
      %dma_wait3A_35 = tpu.memref_slice %arg5[%add3A_31, %dma_wait3A] : memref<20480x128xf32, #tpu.memory_space<hbm>> -> memref<640x128xf32, #tpu.memory_space<hbm>>
      %dma_wait3A_36 = arith.constant 0 : i32
      %dma_wait3A_37 = tpu.memref_slice %arg6[%mul3A_8, %dma_wait3A_36] : memref<10240x128xf32, #tpu.memory_space<vmem_shared>> -> memref<640x128xf32, #tpu.memory_space<vmem_shared>>
      tpu.wait_dma2 semaphore(%run_scoped3A : memref<!tpu.dma_semaphore, #tpu.memory_space<semaphore_mem>>) src(%dma_wait3A_37 : memref<640x128xf32, #tpu.memory_space<vmem_shared>>) dst(%dma_wait3A_35 : memref<640x128xf32, #tpu.memory_space<hbm>>)
      tpu.yield
    }) : () -> ()
    return
  }
}

#map = affine_map<(d0, d1) -> (0, 0)>
module attributes {stable_mosaic.version = 14 : i64} {
  func.func @_sc_segment_sum_body(%arg0: i32, %arg1: i32, %arg2: memref<10240x128xf32, #tpu.memory_space<hbm>>, %arg3: memref<2560x128xi32, #tpu.memory_space<hbm>>, %arg4: memref<2560x128xi32, #tpu.memory_space<hbm>>, %arg5: memref<20480x128xf32, #tpu.memory_space<hbm>>, %arg6: memref<10240x128xf32, #tpu.memory_space<vmem_shared>>, %arg7: memref<128x128xf32, #tpu.memory_space<vmem>>, %arg8: memref<8x128xi32, #tpu.memory_space<vmem>>, %arg9: memref<8x128xi32, #tpu.memory_space<vmem>>) attributes {dimension_semantics = [#tpu.dimension_semantics<core_parallel>, #tpu.dimension_semantics<subcore_parallel>], iteration_bounds = array<i64: 2, 16>, scalar_prefetch = 0 : i64, scratch_operands = 4 : i64, tpu.core_type = #tpu.core_type<sc_vector_subcore>, window_params = [{transform_indices = #map}, {transform_indices = #map}, {transform_indices = #map}, {transform_indices = #map}]} {
    %mul3A = arith.constant 16 : i32
    %mul3A_0 = arith.muli %arg0, %mul3A : i32
    %add3A = arith.addi %mul3A_0, %arg1 : i32
    %scan3A = arith.constant 0 : i32
    %scan3A_1 = arith.constant 0 : i32
    %scan3A_2 = arith.constant 128 : i32
    %scan3A_3 = arith.addi %scan3A_1, %scan3A_2 : i32
    %scan3A_4 = arith.constant 1 : i32
    %scan3A_5 = scf.for %scan3A_32 = %scan3A_1 to %scan3A_3 step %scan3A_4 iter_args(%scan3A_33 = %scan3A) -> (i32)  : i32 {
      %broadcast_in_dim3A = arith.constant 0.000000e+00 : f32
      %broadcast_in_dim3A_34 = vector.broadcast %broadcast_in_dim3A : f32 to vector<16xf32>
      %swap3A = arith.index_cast %scan3A_32 : i32 to index
      %swap3A_35 = arith.constant 0 : index
      %swap3A_36 = tpu.vector_load %arg7[%swap3A, %swap3A_35] {strides = array<i32>} : memref<128x128xf32, #tpu.memory_space<vmem>>, vector<1x16xf32>,
      %swap3A_37 = vector.shape_cast %swap3A_36 : vector<1x16xf32> to vector<16xf32>
      %swap3A_38 = vector.shape_cast %broadcast_in_dim3A_34 : vector<16xf32> to vector<1x16xf32>
      tpu.vector_store %arg7[%swap3A, %swap3A_35], %swap3A_38 {strides = array<i32>} : memref<128x128xf32, #tpu.memory_space<vmem>>, vector<1x16xf32>,
      %broadcast_in_dim3A_39 = arith.constant 0.000000e+00 : f32
      %broadcast_in_dim3A_40 = vector.broadcast %broadcast_in_dim3A_39 : f32 to vector<16xf32>
      %swap3A_41 = arith.index_cast %scan3A_32 : i32 to index
      %swap3A_42 = arith.constant 16 : index
      %swap3A_43 = tpu.vector_load %arg7[%swap3A_41, %swap3A_42] {strides = array<i32>} : memref<128x128xf32, #tpu.memory_space<vmem>>, vector<1x16xf32>,
      %swap3A_44 = vector.shape_cast %swap3A_43 : vector<1x16xf32> to vector<16xf32>
      %swap3A_45 = vector.shape_cast %broadcast_in_dim3A_40 : vector<16xf32> to vector<1x16xf32>
      tpu.vector_store %arg7[%swap3A_41, %swap3A_42], %swap3A_45 {strides = array<i32>} : memref<128x128xf32, #tpu.memory_space<vmem>>, vector<1x16xf32>,
      %broadcast_in_dim3A_46 = arith.constant 0.000000e+00 : f32
      %broadcast_in_dim3A_47 = vector.broadcast %broadcast_in_dim3A_46 : f32 to vector<16xf32>
      %swap3A_48 = arith.index_cast %scan3A_32 : i32 to index
      %swap3A_49 = arith.constant 32 : index
      %swap3A_50 = tpu.vector_load %arg7[%swap3A_48, %swap3A_49] {strides = array<i32>} : memref<128x128xf32, #tpu.memory_space<vmem>>, vector<1x16xf32>,
      %swap3A_51 = vector.shape_cast %swap3A_50 : vector<1x16xf32> to vector<16xf32>
      %swap3A_52 = vector.shape_cast %broadcast_in_dim3A_47 : vector<16xf32> to vector<1x16xf32>
      tpu.vector_store %arg7[%swap3A_48, %swap3A_49], %swap3A_52 {strides = array<i32>} : memref<128x128xf32, #tpu.memory_space<vmem>>, vector<1x16xf32>,
      %broadcast_in_dim3A_53 = arith.constant 0.000000e+00 : f32
      %broadcast_in_dim3A_54 = vector.broadcast %broadcast_in_dim3A_53 : f32 to vector<16xf32>
      %swap3A_55 = arith.index_cast %scan3A_32 : i32 to index
      %swap3A_56 = arith.constant 48 : index
      %swap3A_57 = tpu.vector_load %arg7[%swap3A_55, %swap3A_56] {strides = array<i32>} : memref<128x128xf32, #tpu.memory_space<vmem>>, vector<1x16xf32>,
      %swap3A_58 = vector.shape_cast %swap3A_57 : vector<1x16xf32> to vector<16xf32>
      %swap3A_59 = vector.shape_cast %broadcast_in_dim3A_54 : vector<16xf32> to vector<1x16xf32>
      tpu.vector_store %arg7[%swap3A_55, %swap3A_56], %swap3A_59 {strides = array<i32>} : memref<128x128xf32, #tpu.memory_space<vmem>>, vector<1x16xf32>,
      %broadcast_in_dim3A_60 = arith.constant 0.000000e+00 : f32
      %broadcast_in_dim3A_61 = vector.broadcast %broadcast_in_dim3A_60 : f32 to vector<16xf32>
      %swap3A_62 = arith.index_cast %scan3A_32 : i32 to index
      %swap3A_63 = arith.constant 64 : index
      %swap3A_64 = tpu.vector_load %arg7[%swap3A_62, %swap3A_63] {strides = array<i32>} : memref<128x128xf32, #tpu.memory_space<vmem>>, vector<1x16xf32>,
      %swap3A_65 = vector.shape_cast %swap3A_64 : vector<1x16xf32> to vector<16xf32>
      %swap3A_66 = vector.shape_cast %broadcast_in_dim3A_61 : vector<16xf32> to vector<1x16xf32>
      tpu.vector_store %arg7[%swap3A_62, %swap3A_63], %swap3A_66 {strides = array<i32>} : memref<128x128xf32, #tpu.memory_space<vmem>>, vector<1x16xf32>,
      %broadcast_in_dim3A_67 = arith.constant 0.000000e+00 : f32
      %broadcast_in_dim3A_68 = vector.broadcast %broadcast_in_dim3A_67 : f32 to vector<16xf32>
      %swap3A_69 = arith.index_cast %scan3A_32 : i32 to index
      %swap3A_70 = arith.constant 80 : index
      %swap3A_71 = tpu.vector_load %arg7[%swap3A_69, %swap3A_70] {strides = array<i32>} : memref<128x128xf32, #tpu.memory_space<vmem>>, vector<1x16xf32>,
      %swap3A_72 = vector.shape_cast %swap3A_71 : vector<1x16xf32> to vector<16xf32>
      %swap3A_73 = vector.shape_cast %broadcast_in_dim3A_68 : vector<16xf32> to vector<1x16xf32>
      tpu.vector_store %arg7[%swap3A_69, %swap3A_70], %swap3A_73 {strides = array<i32>} : memref<128x128xf32, #tpu.memory_space<vmem>>, vector<1x16xf32>,
      %broadcast_in_dim3A_74 = arith.constant 0.000000e+00 : f32
      %broadcast_in_dim3A_75 = vector.broadcast %broadcast_in_dim3A_74 : f32 to vector<16xf32>
      %swap3A_76 = arith.index_cast %scan3A_32 : i32 to index
      %swap3A_77 = arith.constant 96 : index
      %swap3A_78 = tpu.vector_load %arg7[%swap3A_76, %swap3A_77] {strides = array<i32>} : memref<128x128xf32, #tpu.memory_space<vmem>>, vector<1x16xf32>,
      %swap3A_79 = vector.shape_cast %swap3A_78 : vector<1x16xf32> to vector<16xf32>
      %swap3A_80 = vector.shape_cast %broadcast_in_dim3A_75 : vector<16xf32> to vector<1x16xf32>
      tpu.vector_store %arg7[%swap3A_76, %swap3A_77], %swap3A_80 {strides = array<i32>} : memref<128x128xf32, #tpu.memory_space<vmem>>, vector<1x16xf32>,
      %broadcast_in_dim3A_81 = arith.constant 0.000000e+00 : f32
      %broadcast_in_dim3A_82 = vector.broadcast %broadcast_in_dim3A_81 : f32 to vector<16xf32>
      %swap3A_83 = arith.index_cast %scan3A_32 : i32 to index
      %swap3A_84 = arith.constant 112 : index
      %swap3A_85 = tpu.vector_load %arg7[%swap3A_83, %swap3A_84] {strides = array<i32>} : memref<128x128xf32, #tpu.memory_space<vmem>>, vector<1x16xf32>,
      %swap3A_86 = vector.shape_cast %swap3A_85 : vector<1x16xf32> to vector<16xf32>
      %swap3A_87 = vector.shape_cast %broadcast_in_dim3A_82 : vector<16xf32> to vector<1x16xf32>
      tpu.vector_store %arg7[%swap3A_83, %swap3A_84], %swap3A_87 {strides = array<i32>} : memref<128x128xf32, #tpu.memory_space<vmem>>, vector<1x16xf32>,
      %scan3A_88 = arith.constant 0 : i32
      scf.yield %scan3A_88 : i32
    }
    %scan3A_6 = arith.constant 128 : i32
    %mul3A_7 = arith.constant 640 : i32
    %mul3A_8 = arith.muli %arg1, %mul3A_7 : i32
    %add3A_9 = arith.constant 0 : i32
    %add3A_10 = arith.addi %mul3A_8, %add3A_9 : i32
    "tpu.region"() ({
      %run_scoped3A = tpu.sem_alloc : memref<!tpu.dma_semaphore, #tpu.memory_space<semaphore_mem>>
      %dma_start3A = arith.constant 0 : i32
      %dma_start3A_32 = tpu.memref_slice %arg6[%add3A_10, %dma_start3A] : memref<10240x128xf32, #tpu.memory_space<vmem_shared>> -> memref<128x128xf32, #tpu.memory_space<vmem_shared>>
      %dma_start3A_33 = arith.constant 0 : i32
      %dma_start3A_34 = tpu.memref_slice %arg6[%add3A_10, %dma_start3A_33] : memref<10240x128xf32, #tpu.memory_space<vmem_shared>> -> memref<128x128xf32, #tpu.memory_space<vmem_shared>>
      tpu.enqueue_dma source(%arg7 : memref<128x128xf32, #tpu.memory_space<vmem>>) target(%dma_start3A_34 : memref<128x128xf32, #tpu.memory_space<vmem_shared>>) target_semaphore(%run_scoped3A : memref<!tpu.dma_semaphore, #tpu.memory_space<semaphore_mem>>)
      %dma_wait3A = arith.constant 0 : i32
      %dma_wait3A_35 = tpu.memref_slice %arg6[%add3A_10, %dma_wait3A] : memref<10240x128xf32, #tpu.memory_space<vmem_shared>> -> memref<128x128xf32, #tpu.memory_space<vmem_shared>>
      %dma_wait3A_36 = arith.constant 0 : i32
      %dma_wait3A_37 = tpu.memref_slice %arg6[%add3A_10, %dma_wait3A_36] : memref<10240x128xf32, #tpu.memory_space<vmem_shared>> -> memref<128x128xf32, #tpu.memory_space<vmem_shared>>
      tpu.wait_dma2 semaphore(%run_scoped3A : memref<!tpu.dma_semaphore, #tpu.memory_space<semaphore_mem>>) src(%arg7 : memref<128x128xf32, #tpu.memory_space<vmem>>) dst(%dma_wait3A_37 : memref<128x128xf32, #tpu.memory_space<vmem_shared>>)
      tpu.yield
    }) : () -> ()
    %add3A_11 = arith.constant 128 : i32
    %add3A_12 = arith.addi %mul3A_8, %add3A_11 : i32
    "tpu.region"() ({
      %run_scoped3A = tpu.sem_alloc : memref<!tpu.dma_semaphore, #tpu.memory_space<semaphore_mem>>
      %dma_start3A = arith.constant 0 : i32
      %dma_start3A_32 = tpu.memref_slice %arg6[%add3A_12, %dma_start3A] : memref<10240x128xf32, #tpu.memory_space<vmem_shared>> -> memref<128x128xf32, #tpu.memory_space<vmem_shared>>
      %dma_start3A_33 = arith.constant 0 : i32
      %dma_start3A_34 = tpu.memref_slice %arg6[%add3A_12, %dma_start3A_33] : memref<10240x128xf32, #tpu.memory_space<vmem_shared>> -> memref<128x128xf32, #tpu.memory_space<vmem_shared>>
      tpu.enqueue_dma source(%arg7 : memref<128x128xf32, #tpu.memory_space<vmem>>) target(%dma_start3A_34 : memref<128x128xf32, #tpu.memory_space<vmem_shared>>) target_semaphore(%run_scoped3A : memref<!tpu.dma_semaphore, #tpu.memory_space<semaphore_mem>>)
      %dma_wait3A = arith.constant 0 : i32
      %dma_wait3A_35 = tpu.memref_slice %arg6[%add3A_12, %dma_wait3A] : memref<10240x128xf32, #tpu.memory_space<vmem_shared>> -> memref<128x128xf32, #tpu.memory_space<vmem_shared>>
      %dma_wait3A_36 = arith.constant 0 : i32
      %dma_wait3A_37 = tpu.memref_slice %arg6[%add3A_12, %dma_wait3A_36] : memref<10240x128xf32, #tpu.memory_space<vmem_shared>> -> memref<128x128xf32, #tpu.memory_space<vmem_shared>>
      tpu.wait_dma2 semaphore(%run_scoped3A : memref<!tpu.dma_semaphore, #tpu.memory_space<semaphore_mem>>) src(%arg7 : memref<128x128xf32, #tpu.memory_space<vmem>>) dst(%dma_wait3A_37 : memref<128x128xf32, #tpu.memory_space<vmem_shared>>)
      tpu.yield
    }) : () -> ()
    %add3A_13 = arith.constant 256 : i32
    %add3A_14 = arith.addi %mul3A_8, %add3A_13 : i32
    "tpu.region"() ({
      %run_scoped3A = tpu.sem_alloc : memref<!tpu.dma_semaphore, #tpu.memory_space<semaphore_mem>>
      %dma_start3A = arith.constant 0 : i32
      %dma_start3A_32 = tpu.memref_slice %arg6[%add3A_14, %dma_start3A] : memref<10240x128xf32, #tpu.memory_space<vmem_shared>> -> memref<128x128xf32, #tpu.memory_space<vmem_shared>>
      %dma_start3A_33 = arith.constant 0 : i32
      %dma_start3A_34 = tpu.memref_slice %arg6[%add3A_14, %dma_start3A_33] : memref<10240x128xf32, #tpu.memory_space<vmem_shared>> -> memref<128x128xf32, #tpu.memory_space<vmem_shared>>
      tpu.enqueue_dma source(%arg7 : memref<128x128xf32, #tpu.memory_space<vmem>>) target(%dma_start3A_34 : memref<128x128xf32, #tpu.memory_space<vmem_shared>>) target_semaphore(%run_scoped3A : memref<!tpu.dma_semaphore, #tpu.memory_space<semaphore_mem>>)
      %dma_wait3A = arith.constant 0 : i32
      %dma_wait3A_35 = tpu.memref_slice %arg6[%add3A_14, %dma_wait3A] : memref<10240x128xf32, #tpu.memory_space<vmem_shared>> -> memref<128x128xf32, #tpu.memory_space<vmem_shared>>
      %dma_wait3A_36 = arith.constant 0 : i32
      %dma_wait3A_37 = tpu.memref_slice %arg6[%add3A_14, %dma_wait3A_36] : memref<10240x128xf32, #tpu.memory_space<vmem_shared>> -> memref<128x128xf32, #tpu.memory_space<vmem_shared>>
      tpu.wait_dma2 semaphore(%run_scoped3A : memref<!tpu.dma_semaphore, #tpu.memory_space<semaphore_mem>>) src(%arg7 : memref<128x128xf32, #tpu.memory_space<vmem>>) dst(%dma_wait3A_37 : memref<128x128xf32, #tpu.memory_space<vmem_shared>>)
      tpu.yield
    }) : () -> ()
    %add3A_15 = arith.constant 384 : i32
    %add3A_16 = arith.addi %mul3A_8, %add3A_15 : i32
    "tpu.region"() ({
      %run_scoped3A = tpu.sem_alloc : memref<!tpu.dma_semaphore, #tpu.memory_space<semaphore_mem>>
      %dma_start3A = arith.constant 0 : i32
      %dma_start3A_32 = tpu.memref_slice %arg6[%add3A_16, %dma_start3A] : memref<10240x128xf32, #tpu.memory_space<vmem_shared>> -> memref<128x128xf32, #tpu.memory_space<vmem_shared>>
      %dma_start3A_33 = arith.constant 0 : i32
      %dma_start3A_34 = tpu.memref_slice %arg6[%add3A_16, %dma_start3A_33] : memref<10240x128xf32, #tpu.memory_space<vmem_shared>> -> memref<128x128xf32, #tpu.memory_space<vmem_shared>>
      tpu.enqueue_dma source(%arg7 : memref<128x128xf32, #tpu.memory_space<vmem>>) target(%dma_start3A_34 : memref<128x128xf32, #tpu.memory_space<vmem_shared>>) target_semaphore(%run_scoped3A : memref<!tpu.dma_semaphore, #tpu.memory_space<semaphore_mem>>)
      %dma_wait3A = arith.constant 0 : i32
      %dma_wait3A_35 = tpu.memref_slice %arg6[%add3A_16, %dma_wait3A] : memref<10240x128xf32, #tpu.memory_space<vmem_shared>> -> memref<128x128xf32, #tpu.memory_space<vmem_shared>>
      %dma_wait3A_36 = arith.constant 0 : i32
      %dma_wait3A_37 = tpu.memref_slice %arg6[%add3A_16, %dma_wait3A_36] : memref<10240x128xf32, #tpu.memory_space<vmem_shared>> -> memref<128x128xf32, #tpu.memory_space<vmem_shared>>
      tpu.wait_dma2 semaphore(%run_scoped3A : memref<!tpu.dma_semaphore, #tpu.memory_space<semaphore_mem>>) src(%arg7 : memref<128x128xf32, #tpu.memory_space<vmem>>) dst(%dma_wait3A_37 : memref<128x128xf32, #tpu.memory_space<vmem_shared>>)
      tpu.yield
    }) : () -> ()
    %add3A_17 = arith.constant 512 : i32
    %add3A_18 = arith.addi %mul3A_8, %add3A_17 : i32
    "tpu.region"() ({
      %run_scoped3A = tpu.sem_alloc : memref<!tpu.dma_semaphore, #tpu.memory_space<semaphore_mem>>
      %dma_start3A = arith.constant 0 : i32
      %dma_start3A_32 = tpu.memref_slice %arg6[%add3A_18, %dma_start3A] : memref<10240x128xf32, #tpu.memory_space<vmem_shared>> -> memref<128x128xf32, #tpu.memory_space<vmem_shared>>
      %dma_start3A_33 = arith.constant 0 : i32
      %dma_start3A_34 = tpu.memref_slice %arg6[%add3A_18, %dma_start3A_33] : memref<10240x128xf32, #tpu.memory_space<vmem_shared>> -> memref<128x128xf32, #tpu.memory_space<vmem_shared>>
      tpu.enqueue_dma source(%arg7 : memref<128x128xf32, #tpu.memory_space<vmem>>) target(%dma_start3A_34 : memref<128x128xf32, #tpu.memory_space<vmem_shared>>) target_semaphore(%run_scoped3A : memref<!tpu.dma_semaphore, #tpu.memory_space<semaphore_mem>>)
      %dma_wait3A = arith.constant 0 : i32
      %dma_wait3A_35 = tpu.memref_slice %arg6[%add3A_18, %dma_wait3A] : memref<10240x128xf32, #tpu.memory_space<vmem_shared>> -> memref<128x128xf32, #tpu.memory_space<vmem_shared>>
      %dma_wait3A_36 = arith.constant 0 : i32
      %dma_wait3A_37 = tpu.memref_slice %arg6[%add3A_18, %dma_wait3A_36] : memref<10240x128xf32, #tpu.memory_space<vmem_shared>> -> memref<128x128xf32, #tpu.memory_space<vmem_shared>>
      tpu.wait_dma2 semaphore(%run_scoped3A : memref<!tpu.dma_semaphore, #tpu.memory_space<semaphore_mem>>) src(%arg7 : memref<128x128xf32, #tpu.memory_space<vmem>>) dst(%dma_wait3A_37 : memref<128x128xf32, #tpu.memory_space<vmem_shared>>)
      tpu.yield
    }) : () -> ()
    %barrier3A = arith.constant 0 : index
    tpu.barrier barrier_id(%barrier3A)
    %mul3A_19 = arith.constant 80 : i32
    %mul3A_20 = arith.muli %add3A, %mul3A_19 : i32
    %scan3A_21 = arith.constant 0 : i32
    %scan3A_22 = arith.constant 0 : i32
    %scan3A_23 = arith.constant 80 : i32
    %scan3A_24 = arith.addi %scan3A_22, %scan3A_23 : i32
    %scan3A_25 = arith.constant 1 : i32
    %scan3A_26 = scf.for %scan3A_32 = %scan3A_22 to %scan3A_24 step %scan3A_25 iter_args(%scan3A_33 = %scan3A_21) -> (i32)  : i32 {
      %rem3A = arith.constant 8 : i32
      %rem3A_34 = arith.remsi %scan3A_32, %rem3A : i32
      %eq3A = arith.constant 0 : i32
      %eq3A_35 = arith.cmpi eq, %rem3A_34, %eq3A : i32
      %convert_element_type3A = arith.extui %eq3A_35 : i1 to i32
      %cond3A = arith.constant 0 : i32
      %cond3A_36 = arith.cmpi ne, %convert_element_type3A, %cond3A : i32
      scf.if %cond3A_36 {
        %add3A_38 = arith.addi %mul3A_20, %scan3A_32 : i32
        %multiple_of3A = tpu.assume_multiple %add3A_38, 8 : i32
        "tpu.region"() ({
          %run_scoped3A = tpu.sem_alloc : memref<!tpu.dma_semaphore, #tpu.memory_space<semaphore_mem>>
          %dma_start3A = arith.constant 0 : i32
          %dma_start3A_39 = tpu.memref_slice %arg3[%multiple_of3A, %dma_start3A] : memref<2560x128xi32, #tpu.memory_space<hbm>> -> memref<8x128xi32, #tpu.memory_space<hbm>>
          %dma_start3A_40 = arith.constant 0 : i32
          %dma_start3A_41 = tpu.memref_slice %arg3[%multiple_of3A, %dma_start3A_40] : memref<2560x128xi32, #tpu.memory_space<hbm>> -> memref<8x128xi32, #tpu.memory_space<hbm>>
          tpu.enqueue_dma source(%dma_start3A_41 : memref<8x128xi32, #tpu.memory_space<hbm>>) target(%arg8 : memref<8x128xi32, #tpu.memory_space<vmem>>) target_semaphore(%run_scoped3A : memref<!tpu.dma_semaphore, #tpu.memory_space<semaphore_mem>>)
          %dma_wait3A = arith.constant 0 : i32
          %dma_wait3A_42 = tpu.memref_slice %arg3[%multiple_of3A, %dma_wait3A] : memref<2560x128xi32, #tpu.memory_space<hbm>> -> memref<8x128xi32, #tpu.memory_space<hbm>>
          %dma_wait3A_43 = arith.constant 0 : i32
          %dma_wait3A_44 = tpu.memref_slice %arg3[%multiple_of3A, %dma_wait3A_43] : memref<2560x128xi32, #tpu.memory_space<hbm>> -> memref<8x128xi32, #tpu.memory_space<hbm>>
          tpu.wait_dma2 semaphore(%run_scoped3A : memref<!tpu.dma_semaphore, #tpu.memory_space<semaphore_mem>>) src(%dma_wait3A_44 : memref<8x128xi32, #tpu.memory_space<hbm>>) dst(%arg8 : memref<8x128xi32, #tpu.memory_space<vmem>>)
          tpu.yield
        }) : () -> ()
        "tpu.region"() ({
          %run_scoped3A = tpu.sem_alloc : memref<!tpu.dma_semaphore, #tpu.memory_space<semaphore_mem>>
          %dma_start3A = arith.constant 0 : i32
          %dma_start3A_39 = tpu.memref_slice %arg4[%multiple_of3A, %dma_start3A] : memref<2560x128xi32, #tpu.memory_space<hbm>> -> memref<8x128xi32, #tpu.memory_space<hbm>>
          %dma_start3A_40 = arith.constant 0 : i32
          %dma_start3A_41 = tpu.memref_slice %arg4[%multiple_of3A, %dma_start3A_40] : memref<2560x128xi32, #tpu.memory_space<hbm>> -> memref<8x128xi32, #tpu.memory_space<hbm>>
          tpu.enqueue_dma source(%dma_start3A_41 : memref<8x128xi32, #tpu.memory_space<hbm>>) target(%arg9 : memref<8x128xi32, #tpu.memory_space<vmem>>) target_semaphore(%run_scoped3A : memref<!tpu.dma_semaphore, #tpu.memory_space<semaphore_mem>>)
          %dma_wait3A = arith.constant 0 : i32
          %dma_wait3A_42 = tpu.memref_slice %arg4[%multiple_of3A, %dma_wait3A] : memref<2560x128xi32, #tpu.memory_space<hbm>> -> memref<8x128xi32, #tpu.memory_space<hbm>>
          %dma_wait3A_43 = arith.constant 0 : i32
          %dma_wait3A_44 = tpu.memref_slice %arg4[%multiple_of3A, %dma_wait3A_43] : memref<2560x128xi32, #tpu.memory_space<hbm>> -> memref<8x128xi32, #tpu.memory_space<hbm>>
          tpu.wait_dma2 semaphore(%run_scoped3A : memref<!tpu.dma_semaphore, #tpu.memory_space<semaphore_mem>>) src(%dma_wait3A_44 : memref<8x128xi32, #tpu.memory_space<hbm>>) dst(%arg9 : memref<8x128xi32, #tpu.memory_space<vmem>>)
          tpu.yield
        }) : () -> ()
      } else {
      }
      "tpu.region"() ({
        %run_scoped3A = tpu.sem_alloc : memref<!tpu.dma_semaphore, #tpu.memory_space<semaphore_mem>>
        %dma_start3A = arith.constant 0 : i32
        %dma_start3A_38 = tpu.memref_slice %arg8[%rem3A_34, %dma_start3A] : memref<8x128xi32, #tpu.memory_space<vmem>> -> memref<1x128xi32, #tpu.memory_space<vmem>>
        %dma_start3A_39 = tpu.memref_squeeze %dma_start3A_38 : memref<1x128xi32, #tpu.memory_space<vmem>> -> memref<128xi32, #tpu.memory_space<vmem>>
        %dma_start3A_40 = arith.constant 0 : i32
        %dma_start3A_41 = arith.constant 0 : i32
        %dma_start3A_42 = tpu.memref_slice %arg2[%dma_start3A_40, %dma_start3A_41] : memref<10240x128xf32, #tpu.memory_space<hbm>> -> memref<10240x128xf32, #tpu.memory_space<hbm>>
        tpu.enqueue_indirect_dma source(%dma_start3A_42 : memref<10240x128xf32, #tpu.memory_space<hbm>>) target(%arg7 : memref<128x128xf32, #tpu.memory_space<vmem>>) offsets(%dma_start3A_39 : memref<128xi32, #tpu.memory_space<vmem>>) semaphore(%run_scoped3A : memref<!tpu.dma_semaphore, #tpu.memory_space<semaphore_mem>>)
        %dma_wait3A = arith.constant 0 : i32
        %dma_wait3A_43 = tpu.memref_slice %arg8[%rem3A_34, %dma_wait3A] : memref<8x128xi32, #tpu.memory_space<vmem>> -> memref<1x128xi32, #tpu.memory_space<vmem>>
        %dma_wait3A_44 = tpu.memref_squeeze %dma_wait3A_43 : memref<1x128xi32, #tpu.memory_space<vmem>> -> memref<128xi32, #tpu.memory_space<vmem>>
        %dma_wait3A_45 = arith.constant 0 : i32
        %dma_wait3A_46 = arith.constant 0 : i32
        %dma_wait3A_47 = tpu.memref_slice %arg2[%dma_wait3A_45, %dma_wait3A_46] : memref<10240x128xf32, #tpu.memory_space<hbm>> -> memref<10240x128xf32, #tpu.memory_space<hbm>>
        tpu.wait_indirect_dma semaphore(%run_scoped3A : memref<!tpu.dma_semaphore, #tpu.memory_space<semaphore_mem>>) src(%dma_wait3A_47 : memref<10240x128xf32, #tpu.memory_space<hbm>>) dst(%arg7 : memref<128x128xf32, #tpu.memory_space<vmem>>)
        tpu.yield
      }) : () -> ()
      "tpu.region"() ({
        %run_scoped3A = tpu.sem_alloc : memref<!tpu.dma_semaphore, #tpu.memory_space<semaphore_mem>>
        %dma_start3A = arith.constant 0 : i32
        %dma_start3A_38 = tpu.memref_slice %arg9[%rem3A_34, %dma_start3A] : memref<8x128xi32, #tpu.memory_space<vmem>> -> memref<1x128xi32, #tpu.memory_space<vmem>>
        %dma_start3A_39 = tpu.memref_squeeze %dma_start3A_38 : memref<1x128xi32, #tpu.memory_space<vmem>> -> memref<128xi32, #tpu.memory_space<vmem>>
        %dma_start3A_40 = arith.constant 0 : i32
        %dma_start3A_41 = arith.constant 0 : i32
        %dma_start3A_42 = tpu.memref_slice %arg6[%dma_start3A_40, %dma_start3A_41] : memref<10240x128xf32, #tpu.memory_space<vmem_shared>> -> memref<10240x128xf32, #tpu.memory_space<vmem_shared>>
        tpu.enqueue_indirect_dma source(%arg7 : memref<128x128xf32, #tpu.memory_space<vmem>>) target(%dma_start3A_42 : memref<10240x128xf32, #tpu.memory_space<vmem_shared>>) offsets(%dma_start3A_39 : memref<128xi32, #tpu.memory_space<vmem>>) semaphore(%run_scoped3A : memref<!tpu.dma_semaphore, #tpu.memory_space<semaphore_mem>>) {add = true}
        %dma_wait3A = arith.constant 0 : i32
        %dma_wait3A_43 = tpu.memref_slice %arg9[%rem3A_34, %dma_wait3A] : memref<8x128xi32, #tpu.memory_space<vmem>> -> memref<1x128xi32, #tpu.memory_space<vmem>>
        %dma_wait3A_44 = tpu.memref_squeeze %dma_wait3A_43 : memref<1x128xi32, #tpu.memory_space<vmem>> -> memref<128xi32, #tpu.memory_space<vmem>>
        %dma_wait3A_45 = arith.constant 0 : i32
        %dma_wait3A_46 = arith.constant 0 : i32
        %dma_wait3A_47 = tpu.memref_slice %arg6[%dma_wait3A_45, %dma_wait3A_46] : memref<10240x128xf32, #tpu.memory_space<vmem_shared>> -> memref<10240x128xf32, #tpu.memory_space<vmem_shared>>
        tpu.wait_indirect_dma semaphore(%run_scoped3A : memref<!tpu.dma_semaphore, #tpu.memory_space<semaphore_mem>>) src(%arg7 : memref<128x128xf32, #tpu.memory_space<vmem>>) dst(%dma_wait3A_47 : memref<10240x128xf32, #tpu.memory_space<vmem_shared>>)
        tpu.yield
      }) : () -> ()
      %scan3A_37 = arith.constant 0 : i32
      scf.yield %scan3A_37 : i32
    }
    %scan3A_27 = arith.constant 80 : i32
    %barrier3A_28 = arith.constant 0 : index
    tpu.barrier barrier_id(%barrier3A_28)
    %mul3A_29 = arith.constant 10240 : i32
    %mul3A_30 = arith.muli %arg0, %mul3A_29 : i32
    %add3A_31 = arith.addi %mul3A_30, %mul3A_8 : i32
    "tpu.region"() ({
      %run_scoped3A = tpu.sem_alloc : memref<!tpu.dma_semaphore, #tpu.memory_space<semaphore_mem>>
      %dma_start3A = arith.constant 0 : i32
      %dma_start3A_32 = tpu.memref_slice %arg5[%add3A_31, %dma_start3A] : memref<20480x128xf32, #tpu.memory_space<hbm>> -> memref<640x128xf32, #tpu.memory_space<hbm>>
      %dma_start3A_33 = arith.constant 0 : i32
      %dma_start3A_34 = tpu.memref_slice %arg6[%mul3A_8, %dma_start3A_33] : memref<10240x128xf32, #tpu.memory_space<vmem_shared>> -> memref<640x128xf32, #tpu.memory_space<vmem_shared>>
      tpu.enqueue_dma source(%dma_start3A_34 : memref<640x128xf32, #tpu.memory_space<vmem_shared>>) target(%dma_start3A_32 : memref<640x128xf32, #tpu.memory_space<hbm>>) target_semaphore(%run_scoped3A : memref<!tpu.dma_semaphore, #tpu.memory_space<semaphore_mem>>)
      %dma_wait3A = arith.constant 0 : i32
      %dma_wait3A_35 = tpu.memref_slice %arg5[%add3A_31, %dma_wait3A] : memref<20480x128xf32, #tpu.memory_space<hbm>> -> memref<640x128xf32, #tpu.memory_space<hbm>>
      %dma_wait3A_36 = arith.constant 0 : i32
      %dma_wait3A_37 = tpu.memref_slice %arg6[%mul3A_8, %dma_wait3A_36] : memref<10240x128xf32, #tpu.memory_space<vmem_shared>> -> memref<640x128xf32, #tpu.memory_space<vmem_shared>>
      tpu.wait_dma2 semaphore(%run_scoped3A : memref<!tpu.dma_semaphore, #tpu.memory_space<semaphore_mem>>) src(%dma_wait3A_37 : memref<640x128xf32, #tpu.memory_space<vmem_shared>>) dst(%dma_wait3A_35 : memref<640x128xf32, #tpu.memory_space<hbm>>)
      tpu.yield
    }) : () -> ()
    return
  }
}

module attributes {stable_mosaic.version = 14 : i64} {
  func.func @_mm_body(%arg0: i32, %arg1: memref<512x128xf32, #tpu.memory_space<vmem>>, %arg2: memref<128x128xf32, #tpu.memory_space<vmem>>, %arg3: memref<512x128xf32, #tpu.memory_space<vmem>>) attributes {dimension_semantics = [#tpu.dimension_semantics<arbitrary>], iteration_bounds = array<i64: 20>, scalar_prefetch = 0 : i64, scratch_operands = 0 : i64, tpu.core_type = #tpu.core_type<tc>, window_params = [{transform_indices = @transform_0, window_bounds = array<i64: 512, 128>}, {pipeline_mode = #tpu.pipeline_mode<synchronous>, transform_indices = @transform_1, window_bounds = array<i64: 128, 128>}, {transform_indices = @transform_2, window_bounds = array<i64: 512, 128>}]} {
    %get3A = arith.constant 0 : index
    %get3A_0 = arith.constant 0 : index
    %get3A_1 = vector.load %arg1[%get3A, %get3A_0] : memref<512x128xf32, #tpu.memory_space<vmem>>, vector<512x128xf32>
    %get3A_2 = arith.constant 0 : index
    %get3A_3 = arith.constant 0 : index
    %get3A_4 = vector.load %arg2[%get3A_2, %get3A_3] : memref<128x128xf32, #tpu.memory_space<vmem>>, vector<128x128xf32>
    %dot_general3A = arith.constant dense<0.000000e+00> : vector<512x128xf32>
    %dot_general3A_5 = tpu.matmul %get3A_1, %get3A_4, %dot_general3A {dimension_numbers = #tpu.dot_dimension_numbers<[1], [0], [0], [1], [0, 0, 1, 1], [], []>, transpose_lhs_hint = false} : vector<512x128xf32>, vector<128x128xf32>, vector<512x128xf32> -> vector<512x128xf32>
    %swap3A = arith.constant 0 : index
    %swap3A_6 = arith.constant 0 : index
    %swap3A_7 = vector.load %arg3[%swap3A, %swap3A_6] : memref<512x128xf32, #tpu.memory_space<vmem>>, vector<512x128xf32>
    tpu.vector_store %arg3[%swap3A, %swap3A_6], %dot_general3A_5 {strides = array<i32>} : memref<512x128xf32, #tpu.memory_space<vmem>>, vector<512x128xf32>,
    return
  }
  func.func @transform_0(%arg0: i32) -> (i32, i32) {
    %c0_i32 = arith.constant 0 : i32
    %c0_i32_0 = arith.constant 0 : i32
    return %arg0, %c0_i32 : i32, i32
  }
  func.func @transform_1(%arg0: i32) -> (i32, i32) {
    %c0_i32 = arith.constant 0 : i32
    %c0_i32_0 = arith.constant 0 : i32
    %c0_i32_1 = arith.constant 0 : i32
    return %c0_i32, %c0_i32_0 : i32, i32
  }
  func.func @transform_2(%arg0: i32) -> (i32, i32) {
    %c0_i32 = arith.constant 0 : i32
    %c0_i32_0 = arith.constant 0 : i32
    return %arg0, %c0_i32 : i32, i32
  }
}

module attributes {stable_mosaic.version = 14 : i64} {
  func.func @_gru_body(%arg0: i32, %arg1: memref<512x128xf32, #tpu.memory_space<vmem>>, %arg2: memref<512x128xf32, #tpu.memory_space<vmem>>, %arg3: memref<512x128xf32, #tpu.memory_space<vmem>>, %arg4: memref<128x128xf32, #tpu.memory_space<vmem>>, %arg5: memref<128x128xf32, #tpu.memory_space<vmem>>, %arg6: memref<128x128xf32, #tpu.memory_space<vmem>>, %arg7: memref<128x128xf32, #tpu.memory_space<vmem>>, %arg8: memref<128x128xf32, #tpu.memory_space<vmem>>, %arg9: memref<128x128xf32, #tpu.memory_space<vmem>>, %arg10: memref<128x128xf32, #tpu.memory_space<vmem>>, %arg11: memref<1x128xf32, #tpu.memory_space<vmem>>, %arg12: memref<1x128xf32, #tpu.memory_space<vmem>>, %arg13: memref<1x128xf32, #tpu.memory_space<vmem>>, %arg14: memref<128x128xf32, #tpu.memory_space<vmem>>, %arg15: memref<1x128xf32, #tpu.memory_space<vmem>>, %arg16: memref<512x128xf32, #tpu.memory_space<vmem>>, %arg17: memref<512x128xf32, #tpu.memory_space<vmem>>) attributes {dimension_semantics = [#tpu.dimension_semantics<arbitrary>], iteration_bounds = array<i64: 20>, scalar_prefetch = 0 : i64, scratch_operands = 0 : i64, tpu.core_type = #tpu.core_type<tc>, window_params = [{transform_indices = @transform_0, window_bounds = array<i64: 512, 128>}, {transform_indices = @transform_1, window_bounds = array<i64: 512, 128>}, {transform_indices = @transform_2, window_bounds = array<i64: 512, 128>}, {pipeline_mode = #tpu.pipeline_mode<synchronous>, transform_indices = @transform_3, window_bounds = array<i64: 128, 128>}, {pipeline_mode = #tpu.pipeline_mode<synchronous>, transform_indices = @transform_4, window_bounds = array<i64: 128, 128>}, {pipeline_mode = #tpu.pipeline_mode<synchronous>, transform_indices = @transform_5, window_bounds = array<i64: 128, 128>}, {pipeline_mode = #tpu.pipeline_mode<synchronous>, transform_indices = @transform_6, window_bounds = array<i64: 128, 128>}, {pipeline_mode = #tpu.pipeline_mode<synchronous>, transform_indices = @transform_7, window_bounds = array<i64: 128, 128>}, {pipeline_mode = #tpu.pipeline_mode<synchronous>, transform_indices = @transform_8, window_bounds = array<i64: 128, 128>}, {pipeline_mode = #tpu.pipeline_mode<synchronous>, transform_indices = @transform_9, window_bounds = array<i64: 128, 128>}, {pipeline_mode = #tpu.pipeline_mode<synchronous>, transform_indices = @transform_10, window_bounds = array<i64: 1, 128>}, {pipeline_mode = #tpu.pipeline_mode<synchronous>, transform_indices = @transform_11, window_bounds = array<i64: 1, 128>}, {pipeline_mode = #tpu.pipeline_mode<synchronous>, transform_indices = @transform_12, window_bounds = array<i64: 1, 128>}, {pipeline_mode = #tpu.pipeline_mode<synchronous>, transform_indices = @transform_13, window_bounds = array<i64: 128, 128>}, {pipeline_mode = #tpu.pipeline_mode<synchronous>, transform_indices = @transform_14, window_bounds = array<i64: 1, 128>}, {transform_indices = @transform_15, window_bounds = array<i64: 512, 128>}, {transform_indices = @transform_16, window_bounds = array<i64: 512, 128>}]} {
    %get3A = arith.constant 0 : index
    %get3A_0 = arith.constant 0 : index
    %get3A_1 = vector.load %arg1[%get3A, %get3A_0] : memref<512x128xf32, #tpu.memory_space<vmem>>, vector<512x128xf32>
    %get3A_2 = arith.constant 0 : index
    %get3A_3 = arith.constant 0 : index
    %get3A_4 = vector.load %arg2[%get3A_2, %get3A_3] : memref<512x128xf32, #tpu.memory_space<vmem>>, vector<512x128xf32>
    %add3A = arith.addf %get3A_1, %get3A_4 : vector<512x128xf32>
    %get3A_5 = arith.constant 0 : index
    %get3A_6 = arith.constant 0 : index
    %get3A_7 = vector.load %arg3[%get3A_5, %get3A_6] : memref<512x128xf32, #tpu.memory_space<vmem>>, vector<512x128xf32>
    %get3A_8 = arith.constant 0 : index
    %get3A_9 = arith.constant 0 : index
    %get3A_10 = vector.load %arg5[%get3A_8, %get3A_9] : memref<128x128xf32, #tpu.memory_space<vmem>>, vector<128x128xf32>
    %dot_general3A = arith.constant dense<0.000000e+00> : vector<512x128xf32>
    %dot_general3A_11 = tpu.matmul %add3A, %get3A_10, %dot_general3A {dimension_numbers = #tpu.dot_dimension_numbers<[1], [0], [0], [1], [0, 0, 1, 1], [], []>, transpose_lhs_hint = false} : vector<512x128xf32>, vector<128x128xf32>, vector<512x128xf32> -> vector<512x128xf32>
    %get3A_12 = arith.constant 0 : index
    %get3A_13 = arith.constant 0 : index
    %get3A_14 = vector.load %arg6[%get3A_12, %get3A_13] : memref<128x128xf32, #tpu.memory_space<vmem>>, vector<128x128xf32>
    %dot_general3A_15 = arith.constant dense<0.000000e+00> : vector<512x128xf32>
    %dot_general3A_16 = tpu.matmul %get3A_7, %get3A_14, %dot_general3A_15 {dimension_numbers = #tpu.dot_dimension_numbers<[1], [0], [0], [1], [0, 0, 1, 1], [], []>, transpose_lhs_hint = false} : vector<512x128xf32>, vector<128x128xf32>, vector<512x128xf32> -> vector<512x128xf32>
    %add3A_17 = arith.addf %dot_general3A_11, %dot_general3A_16 : vector<512x128xf32>
    %get3A_18 = arith.constant 0 : index
    %get3A_19 = arith.constant 0 : index
    %get3A_20 = vector.load %arg11[%get3A_18, %get3A_19] : memref<1x128xf32, #tpu.memory_space<vmem>>, vector<1x128xf32>
    %add3A_21 = vector.broadcast %get3A_20 : vector<1x128xf32> to vector<512x128xf32>
    %add3A_22 = arith.addf %add3A_17, %add3A_21 : vector<512x128xf32>
    %logistic3A = arith.negf %add3A_22 : vector<512x128xf32>
    %logistic3A_23 = math.exp %logistic3A : vector<512x128xf32>
    %logistic3A_24 = arith.constant 1.000000e+00 : f32
    %logistic3A_25 = vector.broadcast %logistic3A_24 : f32 to vector<512x128xf32>
    %logistic3A_26 = arith.addf %logistic3A_25, %logistic3A_23 : vector<512x128xf32>
    %logistic3A_27 = arith.divf %logistic3A_25, %logistic3A_26 : vector<512x128xf32>
    %get3A_28 = arith.constant 0 : index
    %get3A_29 = arith.constant 0 : index
    %get3A_30 = vector.load %arg7[%get3A_28, %get3A_29] : memref<128x128xf32, #tpu.memory_space<vmem>>, vector<128x128xf32>
    %dot_general3A_31 = arith.constant dense<0.000000e+00> : vector<512x128xf32>
    %dot_general3A_32 = tpu.matmul %add3A, %get3A_30, %dot_general3A_31 {dimension_numbers = #tpu.dot_dimension_numbers<[1], [0], [0], [1], [0, 0, 1, 1], [], []>, transpose_lhs_hint = false} : vector<512x128xf32>, vector<128x128xf32>, vector<512x128xf32> -> vector<512x128xf32>
    %get3A_33 = arith.constant 0 : index
    %get3A_34 = arith.constant 0 : index
    %get3A_35 = vector.load %arg8[%get3A_33, %get3A_34] : memref<128x128xf32, #tpu.memory_space<vmem>>, vector<128x128xf32>
    %dot_general3A_36 = arith.constant dense<0.000000e+00> : vector<512x128xf32>
    %dot_general3A_37 = tpu.matmul %get3A_7, %get3A_35, %dot_general3A_36 {dimension_numbers = #tpu.dot_dimension_numbers<[1], [0], [0], [1], [0, 0, 1, 1], [], []>, transpose_lhs_hint = false} : vector<512x128xf32>, vector<128x128xf32>, vector<512x128xf32> -> vector<512x128xf32>
    %add3A_38 = arith.addf %dot_general3A_32, %dot_general3A_37 : vector<512x128xf32>
    %get3A_39 = arith.constant 0 : index
    %get3A_40 = arith.constant 0 : index
    %get3A_41 = vector.load %arg12[%get3A_39, %get3A_40] : memref<1x128xf32, #tpu.memory_space<vmem>>, vector<1x128xf32>
    %add3A_42 = vector.broadcast %get3A_41 : vector<1x128xf32> to vector<512x128xf32>
    %add3A_43 = arith.addf %add3A_38, %add3A_42 : vector<512x128xf32>
    %logistic3A_44 = arith.negf %add3A_43 : vector<512x128xf32>
    %logistic3A_45 = math.exp %logistic3A_44 : vector<512x128xf32>
    %logistic3A_46 = arith.constant 1.000000e+00 : f32
    %logistic3A_47 = vector.broadcast %logistic3A_46 : f32 to vector<512x128xf32>
    %logistic3A_48 = arith.addf %logistic3A_47, %logistic3A_45 : vector<512x128xf32>
    %logistic3A_49 = arith.divf %logistic3A_47, %logistic3A_48 : vector<512x128xf32>
    %get3A_50 = arith.constant 0 : index
    %get3A_51 = arith.constant 0 : index
    %get3A_52 = vector.load %arg9[%get3A_50, %get3A_51] : memref<128x128xf32, #tpu.memory_space<vmem>>, vector<128x128xf32>
    %dot_general3A_53 = arith.constant dense<0.000000e+00> : vector<512x128xf32>
    %dot_general3A_54 = tpu.matmul %add3A, %get3A_52, %dot_general3A_53 {dimension_numbers = #tpu.dot_dimension_numbers<[1], [0], [0], [1], [0, 0, 1, 1], [], []>, transpose_lhs_hint = false} : vector<512x128xf32>, vector<128x128xf32>, vector<512x128xf32> -> vector<512x128xf32>
    %mul3A = arith.mulf %logistic3A_49, %get3A_7 : vector<512x128xf32>
    %get3A_55 = arith.constant 0 : index
    %get3A_56 = arith.constant 0 : index
    %get3A_57 = vector.load %arg10[%get3A_55, %get3A_56] : memref<128x128xf32, #tpu.memory_space<vmem>>, vector<128x128xf32>
    %dot_general3A_58 = arith.constant dense<0.000000e+00> : vector<512x128xf32>
    %dot_general3A_59 = tpu.matmul %mul3A, %get3A_57, %dot_general3A_58 {dimension_numbers = #tpu.dot_dimension_numbers<[1], [0], [0], [1], [0, 0, 1, 1], [], []>, transpose_lhs_hint = false} : vector<512x128xf32>, vector<128x128xf32>, vector<512x128xf32> -> vector<512x128xf32>
    %add3A_60 = arith.addf %dot_general3A_54, %dot_general3A_59 : vector<512x128xf32>
    %get3A_61 = arith.constant 0 : index
    %get3A_62 = arith.constant 0 : index
    %get3A_63 = vector.load %arg13[%get3A_61, %get3A_62] : memref<1x128xf32, #tpu.memory_space<vmem>>, vector<1x128xf32>
    %add3A_64 = vector.broadcast %get3A_63 : vector<1x128xf32> to vector<512x128xf32>
    %add3A_65 = arith.addf %add3A_60, %add3A_64 : vector<512x128xf32>
    %tanh3A = math.tanh %add3A_65 : vector<512x128xf32>
    %sub3A = arith.constant 1.000000e+00 : f32
    %sub3A_66 = vector.broadcast %sub3A : f32 to vector<512x128xf32>
    %sub3A_67 = arith.subf %sub3A_66, %logistic3A_27 : vector<512x128xf32>
    %mul3A_68 = arith.mulf %sub3A_67, %get3A_7 : vector<512x128xf32>
    %mul3A_69 = arith.mulf %logistic3A_27, %tanh3A : vector<512x128xf32>
    %add3A_70 = arith.addf %mul3A_68, %mul3A_69 : vector<512x128xf32>
    %swap3A = arith.constant 0 : index
    %swap3A_71 = arith.constant 0 : index
    %swap3A_72 = vector.load %arg16[%swap3A, %swap3A_71] : memref<512x128xf32, #tpu.memory_space<vmem>>, vector<512x128xf32>
    tpu.vector_store %arg16[%swap3A, %swap3A_71], %add3A_70 {strides = array<i32>} : memref<512x128xf32, #tpu.memory_space<vmem>>, vector<512x128xf32>,
    %get3A_73 = arith.constant 0 : index
    %get3A_74 = arith.constant 0 : index
    %get3A_75 = vector.load %arg4[%get3A_73, %get3A_74] : memref<128x128xf32, #tpu.memory_space<vmem>>, vector<128x128xf32>
    %dot_general3A_76 = arith.constant dense<0.000000e+00> : vector<512x128xf32>
    %dot_general3A_77 = tpu.matmul %add3A_70, %get3A_75, %dot_general3A_76 {dimension_numbers = #tpu.dot_dimension_numbers<[1], [0], [0], [1], [0, 0, 1, 1], [], []>, transpose_lhs_hint = false} : vector<512x128xf32>, vector<128x128xf32>, vector<512x128xf32> -> vector<512x128xf32>
    %swap3A_78 = arith.constant 0 : index
    %swap3A_79 = arith.constant 0 : index
    %swap3A_80 = vector.load %arg17[%swap3A_78, %swap3A_79] : memref<512x128xf32, #tpu.memory_space<vmem>>, vector<512x128xf32>
    tpu.vector_store %arg17[%swap3A_78, %swap3A_79], %dot_general3A_77 {strides = array<i32>} : memref<512x128xf32, #tpu.memory_space<vmem>>, vector<512x128xf32>,
    return
  }
  func.func @transform_0(%arg0: i32) -> (i32, i32) {
    %c0_i32 = arith.constant 0 : i32
    %c0_i32_0 = arith.constant 0 : i32
    return %arg0, %c0_i32 : i32, i32
  }
  func.func @transform_1(%arg0: i32) -> (i32, i32) {
    %c0_i32 = arith.constant 0 : i32
    %c0_i32_0 = arith.constant 0 : i32
    return %arg0, %c0_i32 : i32, i32
  }
  func.func @transform_2(%arg0: i32) -> (i32, i32) {
    %c0_i32 = arith.constant 0 : i32
    %c0_i32_0 = arith.constant 0 : i32
    return %arg0, %c0_i32 : i32, i32
  }
  func.func @transform_3(%arg0: i32) -> (i32, i32) {
    %c0_i32 = arith.constant 0 : i32
    %c0_i32_0 = arith.constant 0 : i32
    %c0_i32_1 = arith.constant 0 : i32
    return %c0_i32, %c0_i32_0 : i32, i32
  }
  func.func @transform_4(%arg0: i32) -> (i32, i32) {
    %c0_i32 = arith.constant 0 : i32
    %c0_i32_0 = arith.constant 0 : i32
    %c0_i32_1 = arith.constant 0 : i32
    return %c0_i32, %c0_i32_0 : i32, i32
  }
  func.func @transform_5(%arg0: i32) -> (i32, i32) {
    %c0_i32 = arith.constant 0 : i32
    %c0_i32_0 = arith.constant 0 : i32
    %c0_i32_1 = arith.constant 0 : i32
    return %c0_i32, %c0_i32_0 : i32, i32
  }
  func.func @transform_6(%arg0: i32) -> (i32, i32) {
    %c0_i32 = arith.constant 0 : i32
    %c0_i32_0 = arith.constant 0 : i32
    %c0_i32_1 = arith.constant 0 : i32
    return %c0_i32, %c0_i32_0 : i32, i32
  }
  func.func @transform_7(%arg0: i32) -> (i32, i32) {
    %c0_i32 = arith.constant 0 : i32
    %c0_i32_0 = arith.constant 0 : i32
    %c0_i32_1 = arith.constant 0 : i32
    return %c0_i32, %c0_i32_0 : i32, i32
  }
  func.func @transform_8(%arg0: i32) -> (i32, i32) {
    %c0_i32 = arith.constant 0 : i32
    %c0_i32_0 = arith.constant 0 : i32
    %c0_i32_1 = arith.constant 0 : i32
    return %c0_i32, %c0_i32_0 : i32, i32
  }
  func.func @transform_9(%arg0: i32) -> (i32, i32) {
    %c0_i32 = arith.constant 0 : i32
    %c0_i32_0 = arith.constant 0 : i32
    %c0_i32_1 = arith.constant 0 : i32
    return %c0_i32, %c0_i32_0 : i32, i32
  }
  func.func @transform_10(%arg0: i32) -> (i32, i32) {
    %c0_i32 = arith.constant 0 : i32
    %c0_i32_0 = arith.constant 0 : i32
    %c0_i32_1 = arith.constant 0 : i32
    return %c0_i32, %c0_i32_0 : i32, i32
  }
  func.func @transform_11(%arg0: i32) -> (i32, i32) {
    %c0_i32 = arith.constant 0 : i32
    %c0_i32_0 = arith.constant 0 : i32
    %c0_i32_1 = arith.constant 0 : i32
    return %c0_i32, %c0_i32_0 : i32, i32
  }
  func.func @transform_12(%arg0: i32) -> (i32, i32) {
    %c0_i32 = arith.constant 0 : i32
    %c0_i32_0 = arith.constant 0 : i32
    %c0_i32_1 = arith.constant 0 : i32
    return %c0_i32, %c0_i32_0 : i32, i32
  }
  func.func @transform_13(%arg0: i32) -> (i32, i32) {
    %c0_i32 = arith.constant 0 : i32
    %c0_i32_0 = arith.constant 0 : i32
    %c0_i32_1 = arith.constant 0 : i32
    return %c0_i32, %c0_i32_0 : i32, i32
  }
  func.func @transform_14(%arg0: i32) -> (i32, i32) {
    %c0_i32 = arith.constant 0 : i32
    %c0_i32_0 = arith.constant 0 : i32
    %c0_i32_1 = arith.constant 0 : i32
    return %c0_i32, %c0_i32_0 : i32, i32
  }
  func.func @transform_15(%arg0: i32) -> (i32, i32) {
    %c0_i32 = arith.constant 0 : i32
    %c0_i32_0 = arith.constant 0 : i32
    return %arg0, %c0_i32 : i32, i32
  }
  func.func @transform_16(%arg0: i32) -> (i32, i32) {
    %c0_i32 = arith.constant 0 : i32
    %c0_i32_0 = arith.constant 0 : i32
    return %arg0, %c0_i32 : i32, i32
  }
}

module attributes {stable_mosaic.version = 14 : i64} {
  func.func @_gru_body(%arg0: i32, %arg1: memref<512x128xf32, #tpu.memory_space<vmem>>, %arg2: memref<512x128xf32, #tpu.memory_space<vmem>>, %arg3: memref<512x128xf32, #tpu.memory_space<vmem>>, %arg4: memref<128x128xf32, #tpu.memory_space<vmem>>, %arg5: memref<128x128xf32, #tpu.memory_space<vmem>>, %arg6: memref<128x128xf32, #tpu.memory_space<vmem>>, %arg7: memref<128x128xf32, #tpu.memory_space<vmem>>, %arg8: memref<128x128xf32, #tpu.memory_space<vmem>>, %arg9: memref<128x128xf32, #tpu.memory_space<vmem>>, %arg10: memref<128x128xf32, #tpu.memory_space<vmem>>, %arg11: memref<1x128xf32, #tpu.memory_space<vmem>>, %arg12: memref<1x128xf32, #tpu.memory_space<vmem>>, %arg13: memref<1x128xf32, #tpu.memory_space<vmem>>, %arg14: memref<128x128xf32, #tpu.memory_space<vmem>>, %arg15: memref<1x128xf32, #tpu.memory_space<vmem>>, %arg16: memref<512x128xf32, #tpu.memory_space<vmem>>) attributes {dimension_semantics = [#tpu.dimension_semantics<arbitrary>], iteration_bounds = array<i64: 20>, scalar_prefetch = 0 : i64, scratch_operands = 0 : i64, tpu.core_type = #tpu.core_type<tc>, window_params = [{transform_indices = @transform_0, window_bounds = array<i64: 512, 128>}, {transform_indices = @transform_1, window_bounds = array<i64: 512, 128>}, {transform_indices = @transform_2, window_bounds = array<i64: 512, 128>}, {pipeline_mode = #tpu.pipeline_mode<synchronous>, transform_indices = @transform_3, window_bounds = array<i64: 128, 128>}, {pipeline_mode = #tpu.pipeline_mode<synchronous>, transform_indices = @transform_4, window_bounds = array<i64: 128, 128>}, {pipeline_mode = #tpu.pipeline_mode<synchronous>, transform_indices = @transform_5, window_bounds = array<i64: 128, 128>}, {pipeline_mode = #tpu.pipeline_mode<synchronous>, transform_indices = @transform_6, window_bounds = array<i64: 128, 128>}, {pipeline_mode = #tpu.pipeline_mode<synchronous>, transform_indices = @transform_7, window_bounds = array<i64: 128, 128>}, {pipeline_mode = #tpu.pipeline_mode<synchronous>, transform_indices = @transform_8, window_bounds = array<i64: 128, 128>}, {pipeline_mode = #tpu.pipeline_mode<synchronous>, transform_indices = @transform_9, window_bounds = array<i64: 128, 128>}, {pipeline_mode = #tpu.pipeline_mode<synchronous>, transform_indices = @transform_10, window_bounds = array<i64: 1, 128>}, {pipeline_mode = #tpu.pipeline_mode<synchronous>, transform_indices = @transform_11, window_bounds = array<i64: 1, 128>}, {pipeline_mode = #tpu.pipeline_mode<synchronous>, transform_indices = @transform_12, window_bounds = array<i64: 1, 128>}, {pipeline_mode = #tpu.pipeline_mode<synchronous>, transform_indices = @transform_13, window_bounds = array<i64: 128, 128>}, {pipeline_mode = #tpu.pipeline_mode<synchronous>, transform_indices = @transform_14, window_bounds = array<i64: 1, 128>}, {transform_indices = @transform_15, window_bounds = array<i64: 512, 128>}]} {
    %get3A = arith.constant 0 : index
    %get3A_0 = arith.constant 0 : index
    %get3A_1 = vector.load %arg1[%get3A, %get3A_0] : memref<512x128xf32, #tpu.memory_space<vmem>>, vector<512x128xf32>
    %get3A_2 = arith.constant 0 : index
    %get3A_3 = arith.constant 0 : index
    %get3A_4 = vector.load %arg2[%get3A_2, %get3A_3] : memref<512x128xf32, #tpu.memory_space<vmem>>, vector<512x128xf32>
    %add3A = arith.addf %get3A_1, %get3A_4 : vector<512x128xf32>
    %get3A_5 = arith.constant 0 : index
    %get3A_6 = arith.constant 0 : index
    %get3A_7 = vector.load %arg3[%get3A_5, %get3A_6] : memref<512x128xf32, #tpu.memory_space<vmem>>, vector<512x128xf32>
    %get3A_8 = arith.constant 0 : index
    %get3A_9 = arith.constant 0 : index
    %get3A_10 = vector.load %arg5[%get3A_8, %get3A_9] : memref<128x128xf32, #tpu.memory_space<vmem>>, vector<128x128xf32>
    %dot_general3A = arith.constant dense<0.000000e+00> : vector<512x128xf32>
    %dot_general3A_11 = tpu.matmul %add3A, %get3A_10, %dot_general3A {dimension_numbers = #tpu.dot_dimension_numbers<[1], [0], [0], [1], [0, 0, 1, 1], [], []>, transpose_lhs_hint = false} : vector<512x128xf32>, vector<128x128xf32>, vector<512x128xf32> -> vector<512x128xf32>
    %get3A_12 = arith.constant 0 : index
    %get3A_13 = arith.constant 0 : index
    %get3A_14 = vector.load %arg6[%get3A_12, %get3A_13] : memref<128x128xf32, #tpu.memory_space<vmem>>, vector<128x128xf32>
    %dot_general3A_15 = arith.constant dense<0.000000e+00> : vector<512x128xf32>
    %dot_general3A_16 = tpu.matmul %get3A_7, %get3A_14, %dot_general3A_15 {dimension_numbers = #tpu.dot_dimension_numbers<[1], [0], [0], [1], [0, 0, 1, 1], [], []>, transpose_lhs_hint = false} : vector<512x128xf32>, vector<128x128xf32>, vector<512x128xf32> -> vector<512x128xf32>
    %add3A_17 = arith.addf %dot_general3A_11, %dot_general3A_16 : vector<512x128xf32>
    %get3A_18 = arith.constant 0 : index
    %get3A_19 = arith.constant 0 : index
    %get3A_20 = vector.load %arg11[%get3A_18, %get3A_19] : memref<1x128xf32, #tpu.memory_space<vmem>>, vector<1x128xf32>
    %add3A_21 = vector.broadcast %get3A_20 : vector<1x128xf32> to vector<512x128xf32>
    %add3A_22 = arith.addf %add3A_17, %add3A_21 : vector<512x128xf32>
    %logistic3A = arith.negf %add3A_22 : vector<512x128xf32>
    %logistic3A_23 = math.exp %logistic3A : vector<512x128xf32>
    %logistic3A_24 = arith.constant 1.000000e+00 : f32
    %logistic3A_25 = vector.broadcast %logistic3A_24 : f32 to vector<512x128xf32>
    %logistic3A_26 = arith.addf %logistic3A_25, %logistic3A_23 : vector<512x128xf32>
    %logistic3A_27 = arith.divf %logistic3A_25, %logistic3A_26 : vector<512x128xf32>
    %get3A_28 = arith.constant 0 : index
    %get3A_29 = arith.constant 0 : index
    %get3A_30 = vector.load %arg7[%get3A_28, %get3A_29] : memref<128x128xf32, #tpu.memory_space<vmem>>, vector<128x128xf32>
    %dot_general3A_31 = arith.constant dense<0.000000e+00> : vector<512x128xf32>
    %dot_general3A_32 = tpu.matmul %add3A, %get3A_30, %dot_general3A_31 {dimension_numbers = #tpu.dot_dimension_numbers<[1], [0], [0], [1], [0, 0, 1, 1], [], []>, transpose_lhs_hint = false} : vector<512x128xf32>, vector<128x128xf32>, vector<512x128xf32> -> vector<512x128xf32>
    %get3A_33 = arith.constant 0 : index
    %get3A_34 = arith.constant 0 : index
    %get3A_35 = vector.load %arg8[%get3A_33, %get3A_34] : memref<128x128xf32, #tpu.memory_space<vmem>>, vector<128x128xf32>
    %dot_general3A_36 = arith.constant dense<0.000000e+00> : vector<512x128xf32>
    %dot_general3A_37 = tpu.matmul %get3A_7, %get3A_35, %dot_general3A_36 {dimension_numbers = #tpu.dot_dimension_numbers<[1], [0], [0], [1], [0, 0, 1, 1], [], []>, transpose_lhs_hint = false} : vector<512x128xf32>, vector<128x128xf32>, vector<512x128xf32> -> vector<512x128xf32>
    %add3A_38 = arith.addf %dot_general3A_32, %dot_general3A_37 : vector<512x128xf32>
    %get3A_39 = arith.constant 0 : index
    %get3A_40 = arith.constant 0 : index
    %get3A_41 = vector.load %arg12[%get3A_39, %get3A_40] : memref<1x128xf32, #tpu.memory_space<vmem>>, vector<1x128xf32>
    %add3A_42 = vector.broadcast %get3A_41 : vector<1x128xf32> to vector<512x128xf32>
    %add3A_43 = arith.addf %add3A_38, %add3A_42 : vector<512x128xf32>
    %logistic3A_44 = arith.negf %add3A_43 : vector<512x128xf32>
    %logistic3A_45 = math.exp %logistic3A_44 : vector<512x128xf32>
    %logistic3A_46 = arith.constant 1.000000e+00 : f32
    %logistic3A_47 = vector.broadcast %logistic3A_46 : f32 to vector<512x128xf32>
    %logistic3A_48 = arith.addf %logistic3A_47, %logistic3A_45 : vector<512x128xf32>
    %logistic3A_49 = arith.divf %logistic3A_47, %logistic3A_48 : vector<512x128xf32>
    %get3A_50 = arith.constant 0 : index
    %get3A_51 = arith.constant 0 : index
    %get3A_52 = vector.load %arg9[%get3A_50, %get3A_51] : memref<128x128xf32, #tpu.memory_space<vmem>>, vector<128x128xf32>
    %dot_general3A_53 = arith.constant dense<0.000000e+00> : vector<512x128xf32>
    %dot_general3A_54 = tpu.matmul %add3A, %get3A_52, %dot_general3A_53 {dimension_numbers = #tpu.dot_dimension_numbers<[1], [0], [0], [1], [0, 0, 1, 1], [], []>, transpose_lhs_hint = false} : vector<512x128xf32>, vector<128x128xf32>, vector<512x128xf32> -> vector<512x128xf32>
    %mul3A = arith.mulf %logistic3A_49, %get3A_7 : vector<512x128xf32>
    %get3A_55 = arith.constant 0 : index
    %get3A_56 = arith.constant 0 : index
    %get3A_57 = vector.load %arg10[%get3A_55, %get3A_56] : memref<128x128xf32, #tpu.memory_space<vmem>>, vector<128x128xf32>
    %dot_general3A_58 = arith.constant dense<0.000000e+00> : vector<512x128xf32>
    %dot_general3A_59 = tpu.matmul %mul3A, %get3A_57, %dot_general3A_58 {dimension_numbers = #tpu.dot_dimension_numbers<[1], [0], [0], [1], [0, 0, 1, 1], [], []>, transpose_lhs_hint = false} : vector<512x128xf32>, vector<128x128xf32>, vector<512x128xf32> -> vector<512x128xf32>
    %add3A_60 = arith.addf %dot_general3A_54, %dot_general3A_59 : vector<512x128xf32>
    %get3A_61 = arith.constant 0 : index
    %get3A_62 = arith.constant 0 : index
    %get3A_63 = vector.load %arg13[%get3A_61, %get3A_62] : memref<1x128xf32, #tpu.memory_space<vmem>>, vector<1x128xf32>
    %add3A_64 = vector.broadcast %get3A_63 : vector<1x128xf32> to vector<512x128xf32>
    %add3A_65 = arith.addf %add3A_60, %add3A_64 : vector<512x128xf32>
    %tanh3A = math.tanh %add3A_65 : vector<512x128xf32>
    %sub3A = arith.constant 1.000000e+00 : f32
    %sub3A_66 = vector.broadcast %sub3A : f32 to vector<512x128xf32>
    %sub3A_67 = arith.subf %sub3A_66, %logistic3A_27 : vector<512x128xf32>
    %mul3A_68 = arith.mulf %sub3A_67, %get3A_7 : vector<512x128xf32>
    %mul3A_69 = arith.mulf %logistic3A_27, %tanh3A : vector<512x128xf32>
    %add3A_70 = arith.addf %mul3A_68, %mul3A_69 : vector<512x128xf32>
    %gt3A = arith.constant 0.000000e+00 : f32
    %gt3A_71 = vector.broadcast %gt3A : f32 to vector<512x128xf32>
    %gt3A_72 = arith.cmpf ogt, %add3A_70, %gt3A_71 : vector<512x128xf32>
    %min3A = arith.constant 0.000000e+00 : f32
    %min3A_73 = vector.broadcast %min3A : f32 to vector<512x128xf32>
    %min3A_74 = arith.minimumf %add3A_70, %min3A_73 : vector<512x128xf32>
    %exp3A = math.exp %min3A_74 : vector<512x128xf32>
    %sub3A_75 = arith.constant 1.000000e+00 : f32
    %sub3A_76 = vector.broadcast %sub3A_75 : f32 to vector<512x128xf32>
    %sub3A_77 = arith.subf %exp3A, %sub3A_76 : vector<512x128xf32>
    %select_n3A = arith.select %gt3A_72, %add3A_70, %sub3A_77 : vector<512x128xi1>, vector<512x128xf32>
    %get3A_78 = arith.constant 0 : index
    %get3A_79 = arith.constant 0 : index
    %get3A_80 = vector.load %arg14[%get3A_78, %get3A_79] : memref<128x128xf32, #tpu.memory_space<vmem>>, vector<128x128xf32>
    %dot_general3A_81 = arith.constant dense<0.000000e+00> : vector<512x128xf32>
    %dot_general3A_82 = tpu.matmul %select_n3A, %get3A_80, %dot_general3A_81 {dimension_numbers = #tpu.dot_dimension_numbers<[1], [0], [0], [1], [0, 0, 1, 1], [], []>, transpose_lhs_hint = false} : vector<512x128xf32>, vector<128x128xf32>, vector<512x128xf32> -> vector<512x128xf32>
    %get3A_83 = arith.constant 0 : index
    %get3A_84 = arith.constant 0 : index
    %get3A_85 = vector.load %arg15[%get3A_83, %get3A_84] : memref<1x128xf32, #tpu.memory_space<vmem>>, vector<1x128xf32>
    %add3A_86 = vector.broadcast %get3A_85 : vector<1x128xf32> to vector<512x128xf32>
    %add3A_87 = arith.addf %dot_general3A_82, %add3A_86 : vector<512x128xf32>
    %swap3A = arith.constant 0 : index
    %swap3A_88 = arith.constant 0 : index
    %swap3A_89 = vector.load %arg16[%swap3A, %swap3A_88] : memref<512x128xf32, #tpu.memory_space<vmem>>, vector<512x128xf32>
    tpu.vector_store %arg16[%swap3A, %swap3A_88], %add3A_87 {strides = array<i32>} : memref<512x128xf32, #tpu.memory_space<vmem>>, vector<512x128xf32>,
    return
  }
  func.func @transform_0(%arg0: i32) -> (i32, i32) {
    %c0_i32 = arith.constant 0 : i32
    %c0_i32_0 = arith.constant 0 : i32
    return %arg0, %c0_i32 : i32, i32
  }
  func.func @transform_1(%arg0: i32) -> (i32, i32) {
    %c0_i32 = arith.constant 0 : i32
    %c0_i32_0 = arith.constant 0 : i32
    return %arg0, %c0_i32 : i32, i32
  }
  func.func @transform_2(%arg0: i32) -> (i32, i32) {
    %c0_i32 = arith.constant 0 : i32
    %c0_i32_0 = arith.constant 0 : i32
    return %arg0, %c0_i32 : i32, i32
  }
  func.func @transform_3(%arg0: i32) -> (i32, i32) {
    %c0_i32 = arith.constant 0 : i32
    %c0_i32_0 = arith.constant 0 : i32
    %c0_i32_1 = arith.constant 0 : i32
    return %c0_i32, %c0_i32_0 : i32, i32
  }
  func.func @transform_4(%arg0: i32) -> (i32, i32) {
    %c0_i32 = arith.constant 0 : i32
    %c0_i32_0 = arith.constant 0 : i32
    %c0_i32_1 = arith.constant 0 : i32
    return %c0_i32, %c0_i32_0 : i32, i32
  }
  func.func @transform_5(%arg0: i32) -> (i32, i32) {
    %c0_i32 = arith.constant 0 : i32
    %c0_i32_0 = arith.constant 0 : i32
    %c0_i32_1 = arith.constant 0 : i32
    return %c0_i32, %c0_i32_0 : i32, i32
  }
  func.func @transform_6(%arg0: i32) -> (i32, i32) {
    %c0_i32 = arith.constant 0 : i32
    %c0_i32_0 = arith.constant 0 : i32
    %c0_i32_1 = arith.constant 0 : i32
    return %c0_i32, %c0_i32_0 : i32, i32
  }
  func.func @transform_7(%arg0: i32) -> (i32, i32) {
    %c0_i32 = arith.constant 0 : i32
    %c0_i32_0 = arith.constant 0 : i32
    %c0_i32_1 = arith.constant 0 : i32
    return %c0_i32, %c0_i32_0 : i32, i32
  }
  func.func @transform_8(%arg0: i32) -> (i32, i32) {
    %c0_i32 = arith.constant 0 : i32
    %c0_i32_0 = arith.constant 0 : i32
    %c0_i32_1 = arith.constant 0 : i32
    return %c0_i32, %c0_i32_0 : i32, i32
  }
  func.func @transform_9(%arg0: i32) -> (i32, i32) {
    %c0_i32 = arith.constant 0 : i32
    %c0_i32_0 = arith.constant 0 : i32
    %c0_i32_1 = arith.constant 0 : i32
    return %c0_i32, %c0_i32_0 : i32, i32
  }
  func.func @transform_10(%arg0: i32) -> (i32, i32) {
    %c0_i32 = arith.constant 0 : i32
    %c0_i32_0 = arith.constant 0 : i32
    %c0_i32_1 = arith.constant 0 : i32
    return %c0_i32, %c0_i32_0 : i32, i32
  }
  func.func @transform_11(%arg0: i32) -> (i32, i32) {
    %c0_i32 = arith.constant 0 : i32
    %c0_i32_0 = arith.constant 0 : i32
    %c0_i32_1 = arith.constant 0 : i32
    return %c0_i32, %c0_i32_0 : i32, i32
  }
  func.func @transform_12(%arg0: i32) -> (i32, i32) {
    %c0_i32 = arith.constant 0 : i32
    %c0_i32_0 = arith.constant 0 : i32
    %c0_i32_1 = arith.constant 0 : i32
    return %c0_i32, %c0_i32_0 : i32, i32
  }
  func.func @transform_13(%arg0: i32) -> (i32, i32) {
    %c0_i32 = arith.constant 0 : i32
    %c0_i32_0 = arith.constant 0 : i32
    %c0_i32_1 = arith.constant 0 : i32
    return %c0_i32, %c0_i32_0 : i32, i32
  }
  func.func @transform_14(%arg0: i32) -> (i32, i32) {
    %c0_i32 = arith.constant 0 : i32
    %c0_i32_0 = arith.constant 0 : i32
    %c0_i32_1 = arith.constant 0 : i32
    return %c0_i32, %c0_i32_0 : i32, i32
  }
  func.func @transform_15(%arg0: i32) -> (i32, i32) {
    %c0_i32 = arith.constant 0 : i32
    %c0_i32_0 = arith.constant 0 : i32
    return %arg0, %c0_i32 : i32, i32
  }
}

</mosaic_0001>

<sc_bundles>
// kernel: kernel.10.cloned.1.call-start
scs
__scs_entry_jumppad:
0x0: {  	(pc) =	sbr.rel $0x88, $3  }
0x1: {  	(tag) =	ssettag $0x0;
	lr =	simm.s32 $0x1  }
0x2: {  	[smem:$0x3F93] =	sst lr;
	_ =	strace $0xD0000000  }
0x3: {  	_ = 	snop  }
0x4: {  	_ = 	snop  }
0x5: {  	_ = 	snop  }
0x6: {  	_ = 	snop  }
0x7: {  	_ = 	snop  }
__scs_overlays_trampoline_lowered:
0x8: {  	[smem:$0x3FA2] =	sst s0  }
0x9: {  	[smem:$0x3FA3] =	sst s1  }
0xa: {  	[smem:$0x3FA4] =	sst s2  }
0xb: {  	[smem:$0x3FA5] =	sst s3  }
0xc: {  	[smem:$0x3FA6] =	sst s4  }
0xd: {  	[smem:$0x3FA7] =	sst s5  }
0xe: {  	[smem:$0x3FA8] =	sst s6  }
0xf: {  	[smem:$0x3FA9] =	sst s7  }
0x10: {  	[smem:$0x3FAA] =	sst s8  }
0x11: {  	[smem:$0x3FAB] =	sst s9;
	s0 =	simm.s32 @!p0 $0x0  }
0x12: {  	s1 =	sld [smem:$0x3F91];
	s0 =	simm.s32 @p0 $0x1  }
0x13: {  	[smem:$0x3FAC] =	sst s0;
	s0 =	simm.s32 @!p1 $0x0  }
0x14: {  	s2 =	sld [smem:$0x3F90];
	s0 =	simm.s32 @p1 $0x1  }
0x15: {  	[smem:$0x3FAD] =	sst s0;
	s0 =	simm.s32 @!p2 $0x0  }
0x16: {  	s3 =	sld [smem:$0x3FDB];
	s0 =	simm.s32 @p2 $0x1  }
0x17: {  	s4 =	simm.s32 $0x1BF5;
	[smem:$0x3FAF] =	sst s0  }
0x18: {  	s0 =	sld [smem:$0x3F92];
	_ =	swait.ge [sflag:s4], $0x0  }
0x19: {  	s7 =	sld [smem:$0x3F93]  }
0x1a: {  	s8 =	sadd.s32 $0xFFFFE003, lr  }
0x1b: {  	s9 =	sadd.s32 $0xFFFFFEF7, lr;
	s5 =	simm.s32 $0xFFFFFFFF;
	p2 =	slt.u32 s8, $0xFFFFF086  }
0x1c: {  	p1 =	slt.u32 s9, $0xF7A;
	s5 =	simm.s32 @!p2 $0x0  }
0x1d: {  	s5 =	simm.s32 @p1 $0x1;
	p0 =	seq.s32 s7, s2  }
0x1e: {  	s7 =	smul.u32 @!p0 $0xF7A, s2;
	p2 =	seq.s32 @!p0 s5, $0x0  }
0x1f: {  	s9 =	smul.u32 $0xF7A, s1;
	s8 =	simm.s32 @!p0 $0x1BF5;
	p2 =	por !p2, p0  }
0x20: {  	[sflag:s8] =	ssyncset.s32 @!p0 $0xFFFFF086;
	s6 =	sadd.s32 @!p0 s3, s7;
	s7 =	simm.s32 @!p0 $0x108  }
0x21: {  	s3 =	sadd.s32 s3, s9;
	s6 =	sadd.s32 @!p0 $0x88, s6;
	s7 =	simm.s32 @p2 $0x1082  }
0x22: {  	[simem:s7], [sflag:s8] =	dma.local @!p0 [hbm:s6], $0xF7A  }
0x23: {  	s9 =	sor.u32 $0xD0000000, s2;
	s6 =	simm.s32 $0x108;
	_ =	swait.ge @!p0 [sflag:s8], $0x0  }
0x24: {  	s3 =	sadd.s32 $0x88, s3;
	s6 =	simm.s32 @!p1 $0x1082;
	[sflag:s4] =	ssyncset.s32 $0xFFFFF086  }
0x25: {  	[simem:s6], [sflag:s4] =	dma.local [hbm:s3], $0xF7A  }
0x26: {  	[smem:$0x3F93] =	sst s1;
	(tag) =	ssettag s2;
	_ =	strace s9  }
0x27: {  	s1 =	sld [smem:$0x3FA3]  }
0x28: {  	s2 =	sld [smem:$0x3FA4]  }
0x29: {  	s4 =	sld [smem:$0x3FA6]  }
0x2a: {  	p0 =	seq.s32 s5, $0x0;
	s5 =	sld [smem:$0x3FA7]  }
0x2b: {  	s6 =	sld [smem:$0x3FA8]  }
0x2c: {  	s7 =	sld [smem:$0x3FA9]  }
0x2d: {  	s3 =	simm.s32 $0x108;
	s8 =	sld [smem:$0x3FAA]  }
0x2e: {  	s3 =	simm.s32 @!p0 $0x1082;
	s9 =	sld [smem:$0x3FAB]  }
0x2f: {  	lr =	sadd.s32 s0, s3;
	s0 =	sld [smem:$0x3FA2]  }
0x30: {  	s3 =	sld [smem:$0x3FA5]  }
0x31: {  	[smem:$0x3FAE] =	sst s10  }
0x32: {  	s10 =	sld [smem:$0x3FAC];
	_ =	sdelay $0x3  }
0x33: {  	p0 =	seq.s32 s10, $0x1;
	s10 =	sld [smem:$0x3FAE];
	_ =	sdelay $0x3  }
0x34: {  	[smem:$0x3FAE] =	sst s10  }
0x35: {  	s10 =	sld [smem:$0x3FAD];
	_ =	sdelay $0x3  }
0x36: {  	p1 =	seq.s32 s10, $0x1;
	s10 =	sld [smem:$0x3FAE];
	_ =	sdelay $0x3  }
0x37: {  	[smem:$0x3FAE] =	sst s10  }
0x38: {  	s10 =	sld [smem:$0x3FAF]  }
0x39: {  	_ = 	snop;
	(pc) =	sbr.ind lr, $3  }
0x3a: {  	_ = 	snop  }
0x3b: {  	_ = 	snop  }
0x3c: {  	p2 =	seq.s32 s10, $0x1;
	s10 =	sld [smem:$0x3FAE]  }
0x3d: {  	_ =	shalt  }
0x3e: {  	_ =	shalt  }
0x3f: {  	_ =	shalt  }
0x40: {  	_ =	shalt  }
0x41: {  	_ =	shalt  }
0x42: {  	_ =	shalt  }
0x43: {  	_ =	shalt  }
0x44: {  	_ =	shalt  }
0x45: {  	_ =	shalt  }
0x46: {  	_ =	shalt  }
0x47: {  	_ =	shalt  }
0x48: {  	_ =	shalt  }
0x49: {  	_ =	shalt  }
0x4a: {  	_ =	shalt  }
0x4b: {  	_ =	shalt  }
0x4c: {  	_ =	shalt  }
0x4d: {  	_ =	shalt  }
0x4e: {  	_ =	shalt  }
0x4f: {  	_ =	shalt  }
0x50: {  	_ =	shalt  }
0x51: {  	_ =	shalt  }
0x52: {  	_ =	shalt  }
0x53: {  	_ =	shalt  }
0x54: {  	_ =	shalt  }
0x55: {  	_ =	shalt  }
0x56: {  	_ =	shalt  }
0x57: {  	_ =	shalt  }
0x58: {  	_ =	shalt  }
0x59: {  	_ =	shalt  }
0x5a: {  	_ =	shalt  }
0x5b: {  	_ =	shalt  }
0x5c: {  	_ =	shalt  }
0x5d: {  	_ =	shalt  }
0x5e: {  	_ =	shalt  }
0x5f: {  	_ =	shalt  }
0x60: {  	_ =	shalt  }
0x61: {  	_ =	shalt  }
0x62: {  	_ =	shalt  }
0x63: {  	_ =	shalt  }
0x64: {  	_ =	shalt  }
0x65: {  	_ =	shalt  }
0x66: {  	_ =	shalt  }
0x67: {  	_ =	shalt  }
0x68: {  	_ =	shalt  }
0x69: {  	_ =	shalt  }
0x6a: {  	_ =	shalt  }
0x6b: {  	_ =	shalt  }
0x6c: {  	_ =	shalt  }
0x6d: {  	_ =	shalt  }
0x6e: {  	_ =	shalt  }
0x6f: {  	_ =	shalt  }
0x70: {  	_ =	shalt  }
0x71: {  	_ =	shalt  }
0x72: {  	_ =	shalt  }
0x73: {  	_ =	shalt  }
0x74: {  	_ =	shalt  }
0x75: {  	_ =	shalt  }
0x76: {  	_ =	shalt  }
0x77: {  	_ =	shalt  }
0x78: {  	_ =	shalt  }
0x79: {  	_ =	shalt  }
0x7a: {  	_ =	shalt  }
0x7b: {  	_ =	shalt  }
0x7c: {  	_ =	shalt  }
0x7d: {  	_ =	shalt  }
0x7e: {  	_ =	shalt  }
0x7f: {  	_ =	shalt  }
0x80: {  	_ =	shalt  }
0x81: {  	_ =	shalt  }
0x82: {  	_ =	shalt  }
0x83: {  	_ =	shalt  }
0x84: {  	_ =	shalt  }
0x85: {  	_ =	shalt  }
0x86: {  	_ =	shalt  }
0x87: {  	_ =	shalt  }
.Lfunc_end0:
.L_simem_size_0:
called_computation.1_lowered:
.L_overlay_start_0:
0x88: {  	s2 =	sld [smem:$0x3FD9]  }
0x89: {  	s3 =	sld [smem:$0x3FFE];
	_ =	sdelay $0x1  }
0x8a: {  	s1 =	srdreg.scid  }
0x8b: {  	s0 =	sand.u32 $0x1, s1  }
0x8c: {  	s17 =	sshll.u32 s0, $0xA;
	s2 =	sadd.s32 s3, s2  }
0x8d: {  	s2 =	sadd.s32 s2, s17  }
0x8e: {  	[smem:$0x3FBA] =	sst s2  }
0x8f: {  	_ = 	snop  }
0x90: {  	s2 =	sld [smem:$0x3FD0];
	(tm) =	ssettm $0x1  }
0x91: {  	s18 =	sld [smem:$0x3FFB];
	_ =	sdelay $0x3  }
0x92: {  	_ =	strace s18  }
0x93: {  	s3 =	sld [smem:$0x3FFC];
	_ =	sdelay $0x3  }
0x94: {  	_ =	strace s3  }
0x95: {  	s3 =	sld [smem:$0x3FFD];
	_ =	sdelay $0x3  }
0x96: {  	_ =	strace s3  }
0x97: {  	_ =	strace $0x8FFFFFFF  }
0x98: {  	s19 =	sld [smem:$0x3FDB];
	_ =	sdelay $0x1  }
0x99: {  	s4 =	simm.s32 $_scs_section_size  }
0x9a: {  	s5 =	simm.s32 $_size__tile_overlayer_lowered;
	s6 =	simm.s32 $_tile_overlayer_lowered  }
0x9b: {  	s22 =	simm.s32 $0x1BFF;
	s21 =	sshll.u32 s6, $0x1;
	s3 =	sadd.s32 s4, s19  }
0x9c: {  	s7 =	simm.s32 $0x0;
	s20 =	sshll.u32 s5, $0x1;
	s5 =	sadd.s32 s21, s3  }
0x9d: {  	[timem:s7], [sflag:s22] =	dma.local [hbm:s5], s20  }
0x9e: {  	_ =	swait.ge [sflag:s22], s20  }
0x9f: {  	s4 =	ssub.s32 $0x0, s20;
	[sflag:s22] =	ssyncset.done $0x0  }
0xa0: {  	[sflag:s22] =	ssyncadd.s32 s4;
	_ =	sdelay $0x1  }
0xa1: {  	s23 =	simm.s32 $0x1B8B  }
0xa2: {  	_ =	swait.ge [sflag:s23], $0x1  }
0xa3: {  	[sflag:s23] =	ssyncset.done $0x0  }
0xa4: {  	s25 =	simm.s32 $0x1B8E;
	s24 =	sld [smem:$0x3FFE];
	[sflag:s23] =	ssyncadd.s32 $0xFFFFFFFF  }
0xa5: {  	s26 =	simm.s32 $execute0_lowered;
	[smem:$0x3FD2] =	sst s25  }
0xa6: {  	s5 =	sshll.u32 s26, $0x1;
	_ =	strace $0x80000049;
	[dreg:$0x1] =	wrdreg $0xFFFFFFFF  }
0xa7: {  	s28 =	simm.s32 $_size_execute0_lowered;
	s3 =	sadd.s32 s3, s5;
	[dreg:$0x0] =	wrdreg $0x0  }
0xa8: {  	s5 =	sshll.u32 s28, $0x1;
	[dreg:$0x2] =	wrdreg s3  }
0xa9: {  	[dreg:$0x3] =	wrdreg s5  }
0xaa: {  	[dreg:$0x4] =	wrdreg $0xC0  }
0xab: {  	_ =	task [dreg:s7], $0x5FFFF  }
0xac: {  	[dreg:$0x1] =	wrdreg $0xFFFFFFFF  }
0xad: {  	[dreg:$0x0] =	wrdreg $0x60  }
0xae: {  	[dreg:$0x2] =	wrdreg s24  }
0xaf: {  	[dreg:$0x3] =	wrdreg s2  }
0xb0: {  	[dreg:$0x4] =	wrdreg $0x0  }
0xb1: {  	[dreg:$0x5] =	wrdreg $0x9  }
0xb2: {  	_ =	task.clear_ibuf [dreg:s7], $0x6FFFF;
	_ =	strace $0x90000049  }
0xb3: {  	s29 =	simm.s32 $0x9;
	_ =	strace $0x8000004B  }
0xb4: {  	_ =	swait.ge [sflag:s29], $0x1  }
0xb5: {  	[sflag:s29] =	ssyncadd.s32 $0xFFFFFFFF  }
0xb6: {  	_ =	strace $0x9000004B  }
0xb7: {  	_ =	sfence  }
0xb8: {  	s30 =	sld [smem:$0x0];
	_ =	sdelay $0x2  }
0xb9: {  	s31 =	sshll.u32 s1, $0xD;
	s1 =	sshrl.u32 s1, $0x2  }
0xba: {  	s3 =	sand.u32 $0x4000, s31;
	s1 =	sadd.s32 s1, s30  }
0xbb: {  	s0 =	sor.u32 s3, s0;
	s1 =	sshll.u32 s1, $0x11  }
0xbc: {  	s0 =	sor.u32 s1, s0  }
0xbd: {  	s0 =	sadd.s32 $0x8F2B, s0  }
0xbe: {  	[sflag:s0] =	ssyncadd.remote.s32 $0x1  }
0xbf: {  	_ =	sfence.sel $0xFFFF  }
0xc0: {  	[dreg:$0x0] =	wrdreg $0xFFFFFFFF;
	(pc) =	sbr.abs _section_cstart, $3  }
0xc1: {  	[dreg:$0x1] =	wrdreg $0xFFFFFFFF  }
0xc2: {  	_ =	task.clear_ibuf [dreg:s7], $0x2FFFF;
	_ =	strace $0x9FFFFFFF  }
0xc3: {  	(tm) =	ssettm $0x7FFFFFFF  }
tec
execute0_lowered:
.L_overlay_start_1:
0x0: {  	(tag) =	ssettag $0x1  }
0x1: {  	s7 =	rddreg [dreg:$0x0]  }
0x2: {  	s2 =	rddreg [dreg:$0x1]  }
0x3: {  	s3 =	rddreg [dreg:$0x2]  }
0x4: {  	s0 =	rddreg [dreg:$0x3]  }
0x5: {  	s5 =	srdreg.scid;
	s1 =	stileid.u32;
	s4 =	simm.s32 $0x0  }
0x6: {  	s16 =	simm.s32 $0x1;
	s17 =	simm.s32 $0x80;
	s9 =	smul.u32 $0x2800, s1  }
0x7: {  	s8 =	sand.u32 $0x1, s5;
	[smem:$0x7FF] =	sst s4;
	s11 =	smul.u32 $0x50000, s1  }
0x8: {  	s5 =	sadd.s32 $0xC800, s7;
	s6 =	sadd.s32 $0x2800, s7;
	s15 =	smul.u32 $0x500, s1  }
0x9: {  	s18 =	sshll.u32 s1, $0x6;
	s10 =	smul.u32 $0x28000, s8;
	_ =	strace $0x8000004A  }
0xa: {  	s29 =	ssub.s32 $0x2, s8;
	s14 =	smul.u32 $0x5000, s8;
	s18 =	sor.u32 $0x1C01, s18  }
0xb: {  	s30 =	sshrl.u32 s11, $0x2;
	s31 =	sshrl.u32 s29, $0x1;
	s9 =	sadd.s32 s9, s10  }
0xc: {  	s13 =	ssub.s32 s29, s31;
	s14 =	sadd.s32 s15, s14;
	s15 =	simm.s32 $0x14000  }
0xd: {  	s12 =	sadd.s32 s9, s7;
	s7 =	sadd.s32 s30, s3;
	s13 =	smax.u32 s13, $0x1  }
0xe: {  	s8 =	sadd.s32 $0x4000, s7;
	s9 =	sadd.s32 $0x8000, s7;
	s10 =	sadd.s32 $0xC000, s7  }
0xf: {  	v0 =	vimm.f32 $0.0e+00;
	s11 =	sadd.s32 $0x10000, s7;
	s12 =	sadd.s32 $0x34800, s12;
	s19 =	sshrl.u32 s7, $0x3  }
.LBB2_1:
0x10: {  	s20 =	simm.s32 $0x0;
	s21 =	simm.s32 $0x200  }
.LBB2_2:
0x11: {  	p0 =	sne.s32 s21, $0xFE00;
	[tilespmem:s20+$0x14070] =	vst v0  }
0x12: {  	[tilespmem:s20+$0x14000] =	vst v0  }
0x13: {  	[tilespmem:s20+$0x14010] =	vst v0  }
.Ltmp0:
0x14: {  	[tilespmem:s20+$0x14020] =	vst v0;
	(pc) =	sbr.rel @p0 .LBB2_2-.Ltmp0, $4  }
0x15: {  	[tilespmem:s20+$0x14030] =	vst v0  }
0x16: {  	[tilespmem:s20+$0x14040] =	vst v0  }
0x17: {  	[tilespmem:s20+$0x14050] =	vst v0  }
0x18: {  	[tilespmem:s20+$0x14060] =	vst v0;
	s20 =	sshra.s32 s21, $0x2;
	s21 =	sadd.s32 $0x200, s21  }
0x19: {  	[tilespmem:s20+$0x14070] =	vst v0  }
0x1a: {  	[tilespmem:s20+$0x14000] =	vst v0  }
0x1b: {  	[tilespmem:s20+$0x14010] =	vst v0  }
0x1c: {  	[tilespmem:s20+$0x14020] =	vst v0  }
0x1d: {  	[tilespmem:s20+$0x14030] =	vst v0  }
0x1e: {  	[tilespmem:s20+$0x14040] =	vst v0  }
0x1f: {  	[tilespmem:s20+$0x14050] =	vst v0  }
0x20: {  	[tilespmem:s20+$0x14060] =	vst v0  }
0x21: {  	[spmem:s7] =	stream.linear.scatter [tilespmem:s15], [sflag:$0x1], $0x4000, $0x38;
	[tilespmem:$0x18800] =	vst v63  }
0x22: {  	_ =	swait.ge [sflag:s16], $0x4000  }
0x23: {  	[sflag:s16] =	ssyncset.done $0x0  }
0x24: {  	[sflag:s16] =	ssyncadd.s32 $0xFFFFC000  }
0x25: {  	[spmem:s8] =	stream.linear.scatter [tilespmem:s15], [sflag:$0x1], $0x4000, $0x38;
	[tilespmem:$0x18800] =	vst v63  }
0x26: {  	_ =	swait.ge [sflag:s16], $0x4000  }
0x27: {  	[sflag:s16] =	ssyncset.done $0x0  }
0x28: {  	[sflag:s16] =	ssyncadd.s32 $0xFFFFC000  }
0x29: {  	[spmem:s9] =	stream.linear.scatter [tilespmem:s15], [sflag:$0x1], $0x4000, $0x38;
	[tilespmem:$0x18800] =	vst v63  }
0x2a: {  	_ =	swait.ge [sflag:s16], $0x4000  }
0x2b: {  	[sflag:s16] =	ssyncset.done $0x0  }
0x2c: {  	[sflag:s16] =	ssyncadd.s32 $0xFFFFC000  }
0x2d: {  	[spmem:s10] =	stream.linear.scatter [tilespmem:s15], [sflag:$0x1], $0x4000, $0x38;
	[tilespmem:$0x18800] =	vst v63  }
0x2e: {  	_ =	swait.ge [sflag:s16], $0x4000  }
0x2f: {  	s28 =	simm.s32 $0x0;
	[sflag:s16] =	ssyncset.done $0x0  }
0x30: {  	s20 =	sand.u32 $0x7, s28;
	[sflag:s16] =	ssyncadd.s32 $0xFFFFC000  }
0x31: {  	[spmem:s11] =	stream.linear.scatter [tilespmem:s15], [sflag:$0x1], $0x4000, $0x38;
	[tilespmem:$0x18800] =	vst v63  }
0x32: {  	p0 =	sne.s32 s20, $0x0;
	_ =	swait.ge [sflag:s16], $0x4000  }
0x33: {  	s21 =	sand.u32 @!p0 $0xFFFFF80, s14;
	[sflag:s16] =	ssyncset.done $0x0  }
0x34: {  	s22 =	simm.s32 @!p0 $0x1;
	s24 =	simm.s32 @!p0 $0x0;
	[sflag:s16] =	ssyncadd.s32 $0xFFFFC000  }
0x35: {  	s25 =	simm.s32 @!p0 $0x18000;
	s23 =	sadd.s32 @!p0 s6, s21;
	[bflag:$0x0] =	sbarrier.arrive $0xFFFF  }
0x36: {  	[tilespmem:s25], [sflag:$0x1] =	stream.linear.gather @!p0 [hbm4b:s23+s24], $0x400, $0x38;
	[tilespmem:$0x18800] =	vst v63  }
0x37: {  	_ =	swait.ge @!p0 [sflag:s22], $0x400  }
0x38: {  	[sflag:s22] =	ssyncset.done @!p0 $0x0  }
0x39: {  	s21 =	sadd.s32 @!p0 s2, s21;
	s23 =	simm.s32 @!p0 $0x18400;
	[sflag:s22] =	ssyncadd.s32 @!p0 $0xFFFFFC00  }
0x3a: {  	[tilespmem:s23], [sflag:$0x1] =	stream.linear.gather @!p0 [hbm4b:s21+s24], $0x400, $0x38;
	[tilespmem:$0x18800] =	vst v63  }
0x3b: {  	_ =	swait.ge @!p0 [sflag:s22], $0x400  }
0x3c: {  	s20 =	sshll.u32 s20, $0x7;
	[sflag:s22] =	ssyncset.done @!p0 $0x0  }
0x3d: {  	s29 =	sor.u32 $0x18000, s20;
	[sflag:s22] =	ssyncadd.s32 @!p0 $0xFFFFFC00  }
0x3e: {  	[tilespmem:s15], [sflag:$0x1] =	stream.indirect.gather [hbm4b:s5+s17], $0x80, s29, s17, $0xb8;
	[tilespmem:$0x18800] =	vst v63  }
0x3f: {  	_ =	swait.ge [sflag:s16], $0x4000  }
0x40: {  	s30 =	simm.s32 $0x1;
	[sflag:s16] =	ssyncset.done $0x0  }
0x41: {  	s31 =	sand.u32 $0x7, s30;
	s20 =	sor.u32 $0x18400, s20;
	[sflag:s16] =	ssyncadd.s32 $0xFFFFC000  }
0x42: {  	[spmem:s3] =	stream.indirect.scatter.add.f32 [tilespmem:s15], [sflag:$0x1], $0x80, s20, s17, $0xb8;
	[tilespmem:$0x18800] =	vst v63  }
0x43: {  	s21 =	simm.s32 $0x2;
	s22 =	sadd.s32 $0x10, s14;
	_ =	swait.ge [sflag:s16], $0x4000  }
0x44: {  	p0 =	sne.s32 s31, $0x0;
	s20 =	sshll.u32 s31, $0x7;
	[sflag:s16] =	ssyncset.done $0x0  }
.LBB2_4:
0x45: {  	s23 =	sand.u32 @!p0 $0xFFFFF80, s22  }
0x46: {  	s24 =	simm.s32 @!p0 $0x1;
	[sflag:s16] =	ssyncadd.s32 $0xFFFFC000;
	s25 =	smov.u32 s21  }
0x47: {  	s28 =	simm.s32 @!p0 $0x0;
	s29 =	simm.s32 @!p0 $0x18000;
	s26 =	sadd.s32 @!p0 s6, s23  }
0x48: {  	[tilespmem:s29], [sflag:$0x1] =	stream.linear.gather @!p0 [hbm4b:s26+s28], $0x400, $0x38;
	[tilespmem:$0x18800] =	vst v63  }
0x49: {  	s21 =	sadd.s32 $0x1, s21;
	s23 =	sadd.s32 @!p0 s2, s23;
	_ =	swait.ge @!p0 [sflag:s24], $0x400  }
0x4a: {  	p1 =	sne.s32 s21, $0x50;
	[sflag:s24] =	ssyncset.done @!p0 $0x0  }
0x4b: {  	s26 =	simm.s32 @!p0 $0x18400;
	[sflag:s24] =	ssyncadd.s32 @!p0 $0xFFFFFC00  }
0x4c: {  	[tilespmem:s26], [sflag:$0x1] =	stream.linear.gather @!p0 [hbm4b:s23+s28], $0x400, $0x38;
	[tilespmem:$0x18800] =	vst v63  }
0x4d: {  	_ =	swait.ge @!p0 [sflag:s24], $0x400  }
0x4e: {  	[sflag:s24] =	ssyncset.done @!p0 $0x0  }
0x4f: {  	s23 =	sor.u32 $0x18000, s20;
	[sflag:s24] =	ssyncadd.s32 @!p0 $0xFFFFFC00  }
0x50: {  	[tilespmem:s15], [sflag:$0x1] =	stream.indirect.gather [hbm4b:s5+s17], $0x80, s23, s17, $0xb8;
	[tilespmem:$0x18800] =	vst v63  }
0x51: {  	_ =	swait.ge [sflag:s16], $0x4000  }
.Ltmp1:
0x52: {  	[sflag:s16] =	ssyncset.done $0x0;
	(pc) =	sbr.rel @p1 .LBB2_4-.Ltmp1, $4  }
0x53: {  	s20 =	sor.u32 $0x18400, s20;
	[sflag:s16] =	ssyncadd.s32 $0xFFFFC000  }
0x54: {  	[spmem:s3] =	stream.indirect.scatter.add.f32 [tilespmem:s15], [sflag:$0x1], $0x80, s20, s17, $0xb8;
	[tilespmem:$0x18800] =	vst v63  }
0x55: {  	s22 =	sadd.s32 $0x10, s22;
	s20 =	sand.u32 $0x7, s25;
	_ =	swait.ge [sflag:s16], $0x4000  }
0x56: {  	p0 =	sne.s32 s20, $0x0;
	s20 =	sshll.u32 s20, $0x7;
	[sflag:s16] =	ssyncset.done $0x0  }
0x57: {  	s21 =	sand.u32 @!p0 $0xFFFFF80, s22;
	s22 =	simm.s32 @!p0 $0x1;
	[sflag:s16] =	ssyncadd.s32 $0xFFFFC000  }
0x58: {  	s24 =	simm.s32 @!p0 $0x0;
	s25 =	simm.s32 @!p0 $0x18000;
	s23 =	sadd.s32 @!p0 s6, s21  }
0x59: {  	[tilespmem:s25], [sflag:$0x1] =	stream.linear.gather @!p0 [hbm4b:s23+s24], $0x400, $0x38;
	[tilespmem:$0x18800] =	vst v63  }
0x5a: {  	_ =	swait.ge @!p0 [sflag:s22], $0x400  }
0x5b: {  	[sflag:s22] =	ssyncset.done @!p0 $0x0  }
0x5c: {  	s21 =	sadd.s32 @!p0 s2, s21;
	s23 =	simm.s32 @!p0 $0x18400;
	[sflag:s22] =	ssyncadd.s32 @!p0 $0xFFFFFC00  }
0x5d: {  	[tilespmem:s23], [sflag:$0x1] =	stream.linear.gather @!p0 [hbm4b:s21+s24], $0x400, $0x38;
	[tilespmem:$0x18800] =	vst v63  }
0x5e: {  	_ =	swait.ge @!p0 [sflag:s22], $0x400  }
0x5f: {  	[sflag:s22] =	ssyncset.done @!p0 $0x0  }
0x60: {  	s30 =	sor.u32 $0x18000, s20;
	[sflag:s22] =	ssyncadd.s32 @!p0 $0xFFFFFC00  }
0x61: {  	[tilespmem:s15], [sflag:$0x1] =	stream.indirect.gather [hbm4b:s5+s17], $0x80, s30, s17, $0xb8;
	[tilespmem:$0x18800] =	vst v63  }
0x62: {  	_ =	swait.ge [sflag:s16], $0x4000  }
0x63: {  	[sflag:s16] =	ssyncset.done $0x0  }
0x64: {  	s31 =	sor.u32 $0x18400, s20;
	[sflag:s16] =	ssyncadd.s32 $0xFFFFC000  }
0x65: {  	[spmem:s3] =	stream.indirect.scatter.add.f32 [tilespmem:s15], [sflag:$0x1], $0x80, s31, s17, $0xb8;
	[tilespmem:$0x18800] =	vst v63  }
0x66: {  	_ =	swait.ge [sflag:s16], $0x4000  }
0x67: {  	s4 =	sadd.s32 $0x1, s4;
	[sflag:s16] =	ssyncset.done $0x0  }
0x68: {  	p0 =	sne.s32 s4, s13;
	[sflag:s16] =	ssyncadd.s32 $0xFFFFC000  }
.Ltmp2:
0x69: {  	[bflag:$0x0] =	sbarrier.arrive $0xFFFF;
	(pc) =	sbr.rel @p0 .LBB2_1-.Ltmp2, $4  }
0x6a: {  	[hbm:s12], [sflag:s18] =	dma.local [spmem:s19], $0x2800  }
0x6b: {  	_ =	swait.ge [sflag:s16], $0x2800  }
0x6c: {  	[sflag:s16] =	ssyncset.done $0x0  }
0x6d: {  	[sflag:s16] =	ssyncadd.s32 $0xFFFFD800  }
0x6e: {  	_ =	sfence.sel $0x180000  }
0x6f: {  	[bflag:$0x0] =	sbarrier.arrive $0xFFFF  }
0x70: {  	p0 =	sne.s32 s1, $0x0;
	_ =	strace $0x9000004A  }
0x71: {  	s0 =	sadd.s32 @!p0 $0x100000, s0;
	[bflag:$0x2] =	sbarrier.arrive $0xFFFF  }
0x72: {  	[sflag:s0] =	ssyncadd.tile.s32 @!p0 $0x1;
	_ =	shalt  }
.Lfunc_end2:
_tile_overlayer_lowered:
.L_overlay_start_2:
0x73: {  	(tag) =	ssettag $0x2  }
0x74: {  	s0 =	rddreg [dreg:$0x0];
	s2 =	stileid.u32  }
0x75: {  	s1 =	rddreg [dreg:$0x1];
	p0 =	sne.s32 s2, $0x0  }
0x76: {  	s3 =	rddreg [dreg:$0x2];
	[bflag:$0x3] =	sbarrier.arrive $0xFFFF;
	s2 =	simm.s32 @!p0 $0x1C01  }
0x77: {  	[timem:s3], [sflag:s2] =	dma.local @!p0 [hbm:s0], s1  }
0x78: {  	s0 =	simm.s32 @!p0 $0x1  }
0x79: {  	_ =	swait.ge @!p0 [sflag:s0], s1  }
0x7a: {  	s1 =	ssub.s32 @!p0 $0x0, s1;
	[sflag:s0] =	ssyncset.done @!p0 $0x0  }
0x7b: {  	[sflag:s0] =	ssyncadd.s32 @!p0 s1  }
0x7c: {  	[bflag:$0x3] =	sbarrier.arrive $0xFFFF  }
0x7d: {  	_ =	shalt  }

// kernel: kernel.7.cloned.1.call-start
scs
__scs_entry_jumppad:
0x0: {  	(pc) =	sbr.rel $0x88, $3  }
0x1: {  	(tag) =	ssettag $0x0;
	lr =	simm.s32 $0x1  }
0x2: {  	[smem:$0x3F93] =	sst lr;
	_ =	strace $0xD0000000  }
0x3: {  	_ = 	snop  }
0x4: {  	_ = 	snop  }
0x5: {  	_ = 	snop  }
0x6: {  	_ = 	snop  }
0x7: {  	_ = 	snop  }
__scs_overlays_trampoline_lowered:
0x8: {  	[smem:$0x3FA2] =	sst s0  }
0x9: {  	[smem:$0x3FA3] =	sst s1  }
0xa: {  	[smem:$0x3FA4] =	sst s2  }
0xb: {  	[smem:$0x3FA5] =	sst s3  }
0xc: {  	[smem:$0x3FA6] =	sst s4  }
0xd: {  	[smem:$0x3FA7] =	sst s5  }
0xe: {  	[smem:$0x3FA8] =	sst s6  }
0xf: {  	[smem:$0x3FA9] =	sst s7  }
0x10: {  	[smem:$0x3FAA] =	sst s8  }
0x11: {  	[smem:$0x3FAB] =	sst s9;
	s0 =	simm.s32 @!p0 $0x0  }
0x12: {  	s1 =	sld [smem:$0x3F91];
	s0 =	simm.s32 @p0 $0x1  }
0x13: {  	[smem:$0x3FAC] =	sst s0;
	s0 =	simm.s32 @!p1 $0x0  }
0x14: {  	s2 =	sld [smem:$0x3F90];
	s0 =	simm.s32 @p1 $0x1  }
0x15: {  	[smem:$0x3FAD] =	sst s0;
	s0 =	simm.s32 @!p2 $0x0  }
0x16: {  	s3 =	sld [smem:$0x3FDB];
	s0 =	simm.s32 @p2 $0x1  }
0x17: {  	s4 =	simm.s32 $0x1BF5;
	[smem:$0x3FAF] =	sst s0  }
0x18: {  	s0 =	sld [smem:$0x3F92];
	_ =	swait.ge [sflag:s4], $0x0  }
0x19: {  	s7 =	sld [smem:$0x3F93]  }
0x1a: {  	s8 =	sadd.s32 $0xFFFFE003, lr  }
0x1b: {  	s9 =	sadd.s32 $0xFFFFFEF7, lr;
	s5 =	simm.s32 $0xFFFFFFFF;
	p2 =	slt.u32 s8, $0xFFFFF086  }
0x1c: {  	p1 =	slt.u32 s9, $0xF7A;
	s5 =	simm.s32 @!p2 $0x0  }
0x1d: {  	s5 =	simm.s32 @p1 $0x1;
	p0 =	seq.s32 s7, s2  }
0x1e: {  	s7 =	smul.u32 @!p0 $0xF7A, s2;
	p2 =	seq.s32 @!p0 s5, $0x0  }
0x1f: {  	s9 =	smul.u32 $0xF7A, s1;
	s8 =	simm.s32 @!p0 $0x1BF5;
	p2 =	por !p2, p0  }
0x20: {  	[sflag:s8] =	ssyncset.s32 @!p0 $0xFFFFF086;
	s6 =	sadd.s32 @!p0 s3, s7;
	s7 =	simm.s32 @!p0 $0x108  }
0x21: {  	s3 =	sadd.s32 s3, s9;
	s6 =	sadd.s32 @!p0 $0x88, s6;
	s7 =	simm.s32 @p2 $0x1082  }
0x22: {  	[simem:s7], [sflag:s8] =	dma.local @!p0 [hbm:s6], $0xF7A  }
0x23: {  	s9 =	sor.u32 $0xD0000000, s2;
	s6 =	simm.s32 $0x108;
	_ =	swait.ge @!p0 [sflag:s8], $0x0  }
0x24: {  	s3 =	sadd.s32 $0x88, s3;
	s6 =	simm.s32 @!p1 $0x1082;
	[sflag:s4] =	ssyncset.s32 $0xFFFFF086  }
0x25: {  	[simem:s6], [sflag:s4] =	dma.local [hbm:s3], $0xF7A  }
0x26: {  	[smem:$0x3F93] =	sst s1;
	(tag) =	ssettag s2;
	_ =	strace s9  }
0x27: {  	s1 =	sld [smem:$0x3FA3]  }
0x28: {  	s2 =	sld [smem:$0x3FA4]  }
0x29: {  	s4 =	sld [smem:$0x3FA6]  }
0x2a: {  	p0 =	seq.s32 s5, $0x0;
	s5 =	sld [smem:$0x3FA7]  }
0x2b: {  	s6 =	sld [smem:$0x3FA8]  }
0x2c: {  	s7 =	sld [smem:$0x3FA9]  }
0x2d: {  	s3 =	simm.s32 $0x108;
	s8 =	sld [smem:$0x3FAA]  }
0x2e: {  	s3 =	simm.s32 @!p0 $0x1082;
	s9 =	sld [smem:$0x3FAB]  }
0x2f: {  	lr =	sadd.s32 s0, s3;
	s0 =	sld [smem:$0x3FA2]  }
0x30: {  	s3 =	sld [smem:$0x3FA5]  }
0x31: {  	[smem:$0x3FAE] =	sst s10  }
0x32: {  	s10 =	sld [smem:$0x3FAC];
	_ =	sdelay $0x3  }
0x33: {  	p0 =	seq.s32 s10, $0x1;
	s10 =	sld [smem:$0x3FAE];
	_ =	sdelay $0x3  }
0x34: {  	[smem:$0x3FAE] =	sst s10  }
0x35: {  	s10 =	sld [smem:$0x3FAD];
	_ =	sdelay $0x3  }
0x36: {  	p1 =	seq.s32 s10, $0x1;
	s10 =	sld [smem:$0x3FAE];
	_ =	sdelay $0x3  }
0x37: {  	[smem:$0x3FAE] =	sst s10  }
0x38: {  	s10 =	sld [smem:$0x3FAF]  }
0x39: {  	_ = 	snop;
	(pc) =	sbr.ind lr, $3  }
0x3a: {  	_ = 	snop  }
0x3b: {  	_ = 	snop  }
0x3c: {  	p2 =	seq.s32 s10, $0x1;
	s10 =	sld [smem:$0x3FAE]  }
0x3d: {  	_ =	shalt  }
0x3e: {  	_ =	shalt  }
0x3f: {  	_ =	shalt  }
0x40: {  	_ =	shalt  }
0x41: {  	_ =	shalt  }
0x42: {  	_ =	shalt  }
0x43: {  	_ =	shalt  }
0x44: {  	_ =	shalt  }
0x45: {  	_ =	shalt  }
0x46: {  	_ =	shalt  }
0x47: {  	_ =	shalt  }
0x48: {  	_ =	shalt  }
0x49: {  	_ =	shalt  }
0x4a: {  	_ =	shalt  }
0x4b: {  	_ =	shalt  }
0x4c: {  	_ =	shalt  }
0x4d: {  	_ =	shalt  }
0x4e: {  	_ =	shalt  }
0x4f: {  	_ =	shalt  }
0x50: {  	_ =	shalt  }
0x51: {  	_ =	shalt  }
0x52: {  	_ =	shalt  }
0x53: {  	_ =	shalt  }
0x54: {  	_ =	shalt  }
0x55: {  	_ =	shalt  }
0x56: {  	_ =	shalt  }
0x57: {  	_ =	shalt  }
0x58: {  	_ =	shalt  }
0x59: {  	_ =	shalt  }
0x5a: {  	_ =	shalt  }
0x5b: {  	_ =	shalt  }
0x5c: {  	_ =	shalt  }
0x5d: {  	_ =	shalt  }
0x5e: {  	_ =	shalt  }
0x5f: {  	_ =	shalt  }
0x60: {  	_ =	shalt  }
0x61: {  	_ =	shalt  }
0x62: {  	_ =	shalt  }
0x63: {  	_ =	shalt  }
0x64: {  	_ =	shalt  }
0x65: {  	_ =	shalt  }
0x66: {  	_ =	shalt  }
0x67: {  	_ =	shalt  }
0x68: {  	_ =	shalt  }
0x69: {  	_ =	shalt  }
0x6a: {  	_ =	shalt  }
0x6b: {  	_ =	shalt  }
0x6c: {  	_ =	shalt  }
0x6d: {  	_ =	shalt  }
0x6e: {  	_ =	shalt  }
0x6f: {  	_ =	shalt  }
0x70: {  	_ =	shalt  }
0x71: {  	_ =	shalt  }
0x72: {  	_ =	shalt  }
0x73: {  	_ =	shalt  }
0x74: {  	_ =	shalt  }
0x75: {  	_ =	shalt  }
0x76: {  	_ =	shalt  }
0x77: {  	_ =	shalt  }
0x78: {  	_ =	shalt  }
0x79: {  	_ =	shalt  }
0x7a: {  	_ =	shalt  }
0x7b: {  	_ =	shalt  }
0x7c: {  	_ =	shalt  }
0x7d: {  	_ =	shalt  }
0x7e: {  	_ =	shalt  }
0x7f: {  	_ =	shalt  }
0x80: {  	_ =	shalt  }
0x81: {  	_ =	shalt  }
0x82: {  	_ =	shalt  }
0x83: {  	_ =	shalt  }
0x84: {  	_ =	shalt  }
0x85: {  	_ =	shalt  }
0x86: {  	_ =	shalt  }
0x87: {  	_ =	shalt  }
.Lfunc_end0:
.L_simem_size_0:
called_computation_lowered:
.L_overlay_start_0:
0x88: {  	s2 =	sld [smem:$0x3FD9]  }
0x89: {  	s3 =	sld [smem:$0x3FFE];
	_ =	sdelay $0x1  }
0x8a: {  	s1 =	srdreg.scid  }
0x8b: {  	s0 =	sand.u32 $0x1, s1  }
0x8c: {  	s17 =	sshll.u32 s0, $0xA;
	s2 =	sadd.s32 s3, s2  }
0x8d: {  	s2 =	sadd.s32 s2, s17  }
0x8e: {  	[smem:$0x3FBA] =	sst s2  }
0x8f: {  	_ = 	snop  }
0x90: {  	s2 =	sld [smem:$0x3FD0];
	(tm) =	ssettm $0x1  }
0x91: {  	s18 =	sld [smem:$0x3FFB];
	_ =	sdelay $0x3  }
0x92: {  	_ =	strace s18  }
0x93: {  	s3 =	sld [smem:$0x3FFC];
	_ =	sdelay $0x3  }
0x94: {  	_ =	strace s3  }
0x95: {  	s3 =	sld [smem:$0x3FFD];
	_ =	sdelay $0x3  }
0x96: {  	_ =	strace s3  }
0x97: {  	_ =	strace $0x8FFFFFFF  }
0x98: {  	s19 =	sld [smem:$0x3FDB];
	_ =	sdelay $0x1  }
0x99: {  	s4 =	simm.s32 $_scs_section_size  }
0x9a: {  	s5 =	simm.s32 $_size__tile_overlayer_lowered;
	s6 =	simm.s32 $_tile_overlayer_lowered  }
0x9b: {  	s22 =	simm.s32 $0x1BFF;
	s21 =	sshll.u32 s6, $0x1;
	s3 =	sadd.s32 s4, s19  }
0x9c: {  	s7 =	simm.s32 $0x0;
	s20 =	sshll.u32 s5, $0x1;
	s5 =	sadd.s32 s21, s3  }
0x9d: {  	[timem:s7], [sflag:s22] =	dma.local [hbm:s5], s20  }
0x9e: {  	_ =	swait.ge [sflag:s22], s20  }
0x9f: {  	s4 =	ssub.s32 $0x0, s20;
	[sflag:s22] =	ssyncset.done $0x0  }
0xa0: {  	[sflag:s22] =	ssyncadd.s32 s4;
	_ =	sdelay $0x1  }
0xa1: {  	s23 =	simm.s32 $0x1B8B  }
0xa2: {  	_ =	swait.ge [sflag:s23], $0x1  }
0xa3: {  	[sflag:s23] =	ssyncset.done $0x0  }
0xa4: {  	s25 =	simm.s32 $0x1B8E;
	s24 =	sld [smem:$0x3FFE];
	[sflag:s23] =	ssyncadd.s32 $0xFFFFFFFF  }
0xa5: {  	s26 =	simm.s32 $execute0_lowered;
	[smem:$0x3FD2] =	sst s25  }
0xa6: {  	s5 =	sshll.u32 s26, $0x1;
	_ =	strace $0x80000046;
	[dreg:$0x1] =	wrdreg $0xFFFFFFFF  }
0xa7: {  	s28 =	simm.s32 $_size_execute0_lowered;
	s3 =	sadd.s32 s3, s5;
	[dreg:$0x0] =	wrdreg $0x0  }
0xa8: {  	s5 =	sshll.u32 s28, $0x1;
	[dreg:$0x2] =	wrdreg s3  }
0xa9: {  	[dreg:$0x3] =	wrdreg s5  }
0xaa: {  	[dreg:$0x4] =	wrdreg $0xC0  }
0xab: {  	_ =	task [dreg:s7], $0x5FFFF  }
0xac: {  	[dreg:$0x1] =	wrdreg $0xFFFFFFFF  }
0xad: {  	[dreg:$0x0] =	wrdreg $0x60  }
0xae: {  	[dreg:$0x2] =	wrdreg s24  }
0xaf: {  	[dreg:$0x3] =	wrdreg s2  }
0xb0: {  	[dreg:$0x4] =	wrdreg $0x0  }
0xb1: {  	[dreg:$0x5] =	wrdreg $0x9  }
0xb2: {  	_ =	task.clear_ibuf [dreg:s7], $0x6FFFF;
	_ =	strace $0x90000046  }
0xb3: {  	s29 =	simm.s32 $0x9;
	_ =	strace $0x80000048  }
0xb4: {  	_ =	swait.ge [sflag:s29], $0x1  }
0xb5: {  	[sflag:s29] =	ssyncadd.s32 $0xFFFFFFFF  }
0xb6: {  	_ =	strace $0x90000048  }
0xb7: {  	_ =	sfence  }
0xb8: {  	s30 =	sld [smem:$0x0];
	_ =	sdelay $0x2  }
0xb9: {  	s31 =	sshll.u32 s1, $0xD;
	s1 =	sshrl.u32 s1, $0x2  }
0xba: {  	s3 =	sand.u32 $0x4000, s31;
	s1 =	sadd.s32 s1, s30  }
0xbb: {  	s0 =	sor.u32 s3, s0;
	s1 =	sshll.u32 s1, $0x11  }
0xbc: {  	s0 =	sor.u32 s1, s0  }
0xbd: {  	s0 =	sadd.s32 $0x8F2B, s0  }
0xbe: {  	[sflag:s0] =	ssyncadd.remote.s32 $0x1  }
0xbf: {  	_ =	sfence.sel $0xFFFF  }
0xc0: {  	[dreg:$0x0] =	wrdreg $0xFFFFFFFF;
	(pc) =	sbr.abs _section_cstart, $3  }
0xc1: {  	[dreg:$0x1] =	wrdreg $0xFFFFFFFF  }
0xc2: {  	_ =	task.clear_ibuf [dreg:s7], $0x2FFFF;
	_ =	strace $0x9FFFFFFF  }
0xc3: {  	(tm) =	ssettm $0x7FFFFFFF  }
tec
execute0_lowered:
.L_overlay_start_1:
0x0: {  	(tag) =	ssettag $0x1  }
0x1: {  	s7 =	rddreg [dreg:$0x0]  }
0x2: {  	s2 =	rddreg [dreg:$0x1]  }
0x3: {  	s3 =	rddreg [dreg:$0x2]  }
0x4: {  	s0 =	rddreg [dreg:$0x3]  }
0x5: {  	s5 =	srdreg.scid;
	s1 =	stileid.u32;
	s4 =	simm.s32 $0x0  }
0x6: {  	s16 =	simm.s32 $0x1;
	s17 =	simm.s32 $0x80;
	s9 =	smul.u32 $0x2800, s1  }
0x7: {  	s8 =	sand.u32 $0x1, s5;
	[smem:$0x7FF] =	sst s4;
	s11 =	smul.u32 $0x50000, s1  }
0x8: {  	s5 =	sadd.s32 $0x34800, s7;
	s6 =	sadd.s32 $0x2800, s7;
	s15 =	smul.u32 $0x500, s1  }
0x9: {  	s18 =	sshll.u32 s1, $0x6;
	s10 =	smul.u32 $0x28000, s8;
	_ =	strace $0x80000047  }
0xa: {  	s29 =	ssub.s32 $0x2, s8;
	s14 =	smul.u32 $0x5000, s8;
	s18 =	sor.u32 $0x1C01, s18  }
0xb: {  	s30 =	sshrl.u32 s11, $0x2;
	s31 =	sshrl.u32 s29, $0x1;
	s9 =	sadd.s32 s9, s10  }
0xc: {  	s13 =	ssub.s32 s29, s31;
	s14 =	sadd.s32 s15, s14;
	s15 =	simm.s32 $0x14000  }
0xd: {  	s12 =	sadd.s32 s9, s7;
	s7 =	sadd.s32 s30, s3;
	s13 =	smax.u32 s13, $0x1  }
0xe: {  	s8 =	sadd.s32 $0x4000, s7;
	s9 =	sadd.s32 $0x8000, s7;
	s10 =	sadd.s32 $0xC000, s7  }
0xf: {  	v0 =	vimm.f32 $0.0e+00;
	s11 =	sadd.s32 $0x10000, s7;
	s12 =	sadd.s32 $0x5C800, s12;
	s19 =	sshrl.u32 s7, $0x3  }
.LBB2_1:
0x10: {  	s20 =	simm.s32 $0x0;
	s21 =	simm.s32 $0x200  }
.LBB2_2:
0x11: {  	p0 =	sne.s32 s21, $0xFE00;
	[tilespmem:s20+$0x14070] =	vst v0  }
0x12: {  	[tilespmem:s20+$0x14000] =	vst v0  }
0x13: {  	[tilespmem:s20+$0x14010] =	vst v0  }
.Ltmp0:
0x14: {  	[tilespmem:s20+$0x14020] =	vst v0;
	(pc) =	sbr.rel @p0 .LBB2_2-.Ltmp0, $4  }
0x15: {  	[tilespmem:s20+$0x14030] =	vst v0  }
0x16: {  	[tilespmem:s20+$0x14040] =	vst v0  }
0x17: {  	[tilespmem:s20+$0x14050] =	vst v0  }
0x18: {  	[tilespmem:s20+$0x14060] =	vst v0;
	s20 =	sshra.s32 s21, $0x2;
	s21 =	sadd.s32 $0x200, s21  }
0x19: {  	[tilespmem:s20+$0x14070] =	vst v0  }
0x1a: {  	[tilespmem:s20+$0x14000] =	vst v0  }
0x1b: {  	[tilespmem:s20+$0x14010] =	vst v0  }
0x1c: {  	[tilespmem:s20+$0x14020] =	vst v0  }
0x1d: {  	[tilespmem:s20+$0x14030] =	vst v0  }
0x1e: {  	[tilespmem:s20+$0x14040] =	vst v0  }
0x1f: {  	[tilespmem:s20+$0x14050] =	vst v0  }
0x20: {  	[tilespmem:s20+$0x14060] =	vst v0  }
0x21: {  	[spmem:s7] =	stream.linear.scatter [tilespmem:s15], [sflag:$0x1], $0x4000, $0x38;
	[tilespmem:$0x18800] =	vst v63  }
0x22: {  	_ =	swait.ge [sflag:s16], $0x4000  }
0x23: {  	[sflag:s16] =	ssyncset.done $0x0  }
0x24: {  	[sflag:s16] =	ssyncadd.s32 $0xFFFFC000  }
0x25: {  	[spmem:s8] =	stream.linear.scatter [tilespmem:s15], [sflag:$0x1], $0x4000, $0x38;
	[tilespmem:$0x18800] =	vst v63  }
0x26: {  	_ =	swait.ge [sflag:s16], $0x4000  }
0x27: {  	[sflag:s16] =	ssyncset.done $0x0  }
0x28: {  	[sflag:s16] =	ssyncadd.s32 $0xFFFFC000  }
0x29: {  	[spmem:s9] =	stream.linear.scatter [tilespmem:s15], [sflag:$0x1], $0x4000, $0x38;
	[tilespmem:$0x18800] =	vst v63  }
0x2a: {  	_ =	swait.ge [sflag:s16], $0x4000  }
0x2b: {  	[sflag:s16] =	ssyncset.done $0x0  }
0x2c: {  	[sflag:s16] =	ssyncadd.s32 $0xFFFFC000  }
0x2d: {  	[spmem:s10] =	stream.linear.scatter [tilespmem:s15], [sflag:$0x1], $0x4000, $0x38;
	[tilespmem:$0x18800] =	vst v63  }
0x2e: {  	_ =	swait.ge [sflag:s16], $0x4000  }
0x2f: {  	s28 =	simm.s32 $0x0;
	[sflag:s16] =	ssyncset.done $0x0  }
0x30: {  	s20 =	sand.u32 $0x7, s28;
	[sflag:s16] =	ssyncadd.s32 $0xFFFFC000  }
0x31: {  	[spmem:s11] =	stream.linear.scatter [tilespmem:s15], [sflag:$0x1], $0x4000, $0x38;
	[tilespmem:$0x18800] =	vst v63  }
0x32: {  	p0 =	sne.s32 s20, $0x0;
	_ =	swait.ge [sflag:s16], $0x4000  }
0x33: {  	s21 =	sand.u32 @!p0 $0xFFFFF80, s14;
	[sflag:s16] =	ssyncset.done $0x0  }
0x34: {  	s22 =	simm.s32 @!p0 $0x1;
	s24 =	simm.s32 @!p0 $0x0;
	[sflag:s16] =	ssyncadd.s32 $0xFFFFC000  }
0x35: {  	s25 =	simm.s32 @!p0 $0x18000;
	s23 =	sadd.s32 @!p0 s6, s21;
	[bflag:$0x0] =	sbarrier.arrive $0xFFFF  }
0x36: {  	[tilespmem:s25], [sflag:$0x1] =	stream.linear.gather @!p0 [hbm4b:s23+s24], $0x400, $0x38;
	[tilespmem:$0x18800] =	vst v63  }
0x37: {  	_ =	swait.ge @!p0 [sflag:s22], $0x400  }
0x38: {  	[sflag:s22] =	ssyncset.done @!p0 $0x0  }
0x39: {  	s21 =	sadd.s32 @!p0 s2, s21;
	s23 =	simm.s32 @!p0 $0x18400;
	[sflag:s22] =	ssyncadd.s32 @!p0 $0xFFFFFC00  }
0x3a: {  	[tilespmem:s23], [sflag:$0x1] =	stream.linear.gather @!p0 [hbm4b:s21+s24], $0x400, $0x38;
	[tilespmem:$0x18800] =	vst v63  }
0x3b: {  	_ =	swait.ge @!p0 [sflag:s22], $0x400  }
0x3c: {  	s20 =	sshll.u32 s20, $0x7;
	[sflag:s22] =	ssyncset.done @!p0 $0x0  }
0x3d: {  	s29 =	sor.u32 $0x18000, s20;
	[sflag:s22] =	ssyncadd.s32 @!p0 $0xFFFFFC00  }
0x3e: {  	[tilespmem:s15], [sflag:$0x1] =	stream.indirect.gather [hbm4b:s5+s17], $0x80, s29, s17, $0xb8;
	[tilespmem:$0x18800] =	vst v63  }
0x3f: {  	_ =	swait.ge [sflag:s16], $0x4000  }
0x40: {  	s30 =	simm.s32 $0x1;
	[sflag:s16] =	ssyncset.done $0x0  }
0x41: {  	s31 =	sand.u32 $0x7, s30;
	s20 =	sor.u32 $0x18400, s20;
	[sflag:s16] =	ssyncadd.s32 $0xFFFFC000  }
0x42: {  	[spmem:s3] =	stream.indirect.scatter.add.f32 [tilespmem:s15], [sflag:$0x1], $0x80, s20, s17, $0xb8;
	[tilespmem:$0x18800] =	vst v63  }
0x43: {  	s21 =	simm.s32 $0x2;
	s22 =	sadd.s32 $0x10, s14;
	_ =	swait.ge [sflag:s16], $0x4000  }
0x44: {  	p0 =	sne.s32 s31, $0x0;
	s20 =	sshll.u32 s31, $0x7;
	[sflag:s16] =	ssyncset.done $0x0  }
.LBB2_4:
0x45: {  	s23 =	sand.u32 @!p0 $0xFFFFF80, s22  }
0x46: {  	s24 =	simm.s32 @!p0 $0x1;
	[sflag:s16] =	ssyncadd.s32 $0xFFFFC000;
	s25 =	smov.u32 s21  }
0x47: {  	s28 =	simm.s32 @!p0 $0x0;
	s29 =	simm.s32 @!p0 $0x18000;
	s26 =	sadd.s32 @!p0 s6, s23  }
0x48: {  	[tilespmem:s29], [sflag:$0x1] =	stream.linear.gather @!p0 [hbm4b:s26+s28], $0x400, $0x38;
	[tilespmem:$0x18800] =	vst v63  }
0x49: {  	s21 =	sadd.s32 $0x1, s21;
	s23 =	sadd.s32 @!p0 s2, s23;
	_ =	swait.ge @!p0 [sflag:s24], $0x400  }
0x4a: {  	p1 =	sne.s32 s21, $0x50;
	[sflag:s24] =	ssyncset.done @!p0 $0x0  }
0x4b: {  	s26 =	simm.s32 @!p0 $0x18400;
	[sflag:s24] =	ssyncadd.s32 @!p0 $0xFFFFFC00  }
0x4c: {  	[tilespmem:s26], [sflag:$0x1] =	stream.linear.gather @!p0 [hbm4b:s23+s28], $0x400, $0x38;
	[tilespmem:$0x18800] =	vst v63  }
0x4d: {  	_ =	swait.ge @!p0 [sflag:s24], $0x400  }
0x4e: {  	[sflag:s24] =	ssyncset.done @!p0 $0x0  }
0x4f: {  	s23 =	sor.u32 $0x18000, s20;
	[sflag:s24] =	ssyncadd.s32 @!p0 $0xFFFFFC00  }
0x50: {  	[tilespmem:s15], [sflag:$0x1] =	stream.indirect.gather [hbm4b:s5+s17], $0x80, s23, s17, $0xb8;
	[tilespmem:$0x18800] =	vst v63  }
0x51: {  	_ =	swait.ge [sflag:s16], $0x4000  }
.Ltmp1:
0x52: {  	[sflag:s16] =	ssyncset.done $0x0;
	(pc) =	sbr.rel @p1 .LBB2_4-.Ltmp1, $4  }
0x53: {  	s20 =	sor.u32 $0x18400, s20;
	[sflag:s16] =	ssyncadd.s32 $0xFFFFC000  }
0x54: {  	[spmem:s3] =	stream.indirect.scatter.add.f32 [tilespmem:s15], [sflag:$0x1], $0x80, s20, s17, $0xb8;
	[tilespmem:$0x18800] =	vst v63  }
0x55: {  	s22 =	sadd.s32 $0x10, s22;
	s20 =	sand.u32 $0x7, s25;
	_ =	swait.ge [sflag:s16], $0x4000  }
0x56: {  	p0 =	sne.s32 s20, $0x0;
	s20 =	sshll.u32 s20, $0x7;
	[sflag:s16] =	ssyncset.done $0x0  }
0x57: {  	s21 =	sand.u32 @!p0 $0xFFFFF80, s22;
	s22 =	simm.s32 @!p0 $0x1;
	[sflag:s16] =	ssyncadd.s32 $0xFFFFC000  }
0x58: {  	s24 =	simm.s32 @!p0 $0x0;
	s25 =	simm.s32 @!p0 $0x18000;
	s23 =	sadd.s32 @!p0 s6, s21  }
0x59: {  	[tilespmem:s25], [sflag:$0x1] =	stream.linear.gather @!p0 [hbm4b:s23+s24], $0x400, $0x38;
	[tilespmem:$0x18800] =	vst v63  }
0x5a: {  	_ =	swait.ge @!p0 [sflag:s22], $0x400  }
0x5b: {  	[sflag:s22] =	ssyncset.done @!p0 $0x0  }
0x5c: {  	s21 =	sadd.s32 @!p0 s2, s21;
	s23 =	simm.s32 @!p0 $0x18400;
	[sflag:s22] =	ssyncadd.s32 @!p0 $0xFFFFFC00  }
0x5d: {  	[tilespmem:s23], [sflag:$0x1] =	stream.linear.gather @!p0 [hbm4b:s21+s24], $0x400, $0x38;
	[tilespmem:$0x18800] =	vst v63  }
0x5e: {  	_ =	swait.ge @!p0 [sflag:s22], $0x400  }
0x5f: {  	[sflag:s22] =	ssyncset.done @!p0 $0x0  }
0x60: {  	s30 =	sor.u32 $0x18000, s20;
	[sflag:s22] =	ssyncadd.s32 @!p0 $0xFFFFFC00  }
0x61: {  	[tilespmem:s15], [sflag:$0x1] =	stream.indirect.gather [hbm4b:s5+s17], $0x80, s30, s17, $0xb8;
	[tilespmem:$0x18800] =	vst v63  }
0x62: {  	_ =	swait.ge [sflag:s16], $0x4000  }
0x63: {  	[sflag:s16] =	ssyncset.done $0x0  }
0x64: {  	s31 =	sor.u32 $0x18400, s20;
	[sflag:s16] =	ssyncadd.s32 $0xFFFFC000  }
0x65: {  	[spmem:s3] =	stream.indirect.scatter.add.f32 [tilespmem:s15], [sflag:$0x1], $0x80, s31, s17, $0xb8;
	[tilespmem:$0x18800] =	vst v63  }
0x66: {  	_ =	swait.ge [sflag:s16], $0x4000  }
0x67: {  	s4 =	sadd.s32 $0x1, s4;
	[sflag:s16] =	ssyncset.done $0x0  }
0x68: {  	p0 =	sne.s32 s4, s13;
	[sflag:s16] =	ssyncadd.s32 $0xFFFFC000  }
.Ltmp2:
0x69: {  	[bflag:$0x0] =	sbarrier.arrive $0xFFFF;
	(pc) =	sbr.rel @p0 .LBB2_1-.Ltmp2, $4  }
0x6a: {  	[hbm:s12], [sflag:s18] =	dma.local [spmem:s19], $0x2800  }
0x6b: {  	_ =	swait.ge [sflag:s16], $0x2800  }
0x6c: {  	[sflag:s16] =	ssyncset.done $0x0  }
0x6d: {  	[sflag:s16] =	ssyncadd.s32 $0xFFFFD800  }
0x6e: {  	_ =	sfence.sel $0x180000  }
0x6f: {  	[bflag:$0x0] =	sbarrier.arrive $0xFFFF  }
0x70: {  	p0 =	sne.s32 s1, $0x0;
	_ =	strace $0x90000047  }
0x71: {  	s0 =	sadd.s32 @!p0 $0x100000, s0;
	[bflag:$0x2] =	sbarrier.arrive $0xFFFF  }
0x72: {  	[sflag:s0] =	ssyncadd.tile.s32 @!p0 $0x1;
	_ =	shalt  }
.Lfunc_end2:
_tile_overlayer_lowered:
.L_overlay_start_2:
0x73: {  	(tag) =	ssettag $0x2  }
0x74: {  	s0 =	rddreg [dreg:$0x0];
	s2 =	stileid.u32  }
0x75: {  	s1 =	rddreg [dreg:$0x1];
	p0 =	sne.s32 s2, $0x0  }
0x76: {  	s3 =	rddreg [dreg:$0x2];
	[bflag:$0x3] =	sbarrier.arrive $0xFFFF;
	s2 =	simm.s32 @!p0 $0x1C01  }
0x77: {  	[timem:s3], [sflag:s2] =	dma.local @!p0 [hbm:s0], s1  }
0x78: {  	s0 =	simm.s32 @!p0 $0x1  }
0x79: {  	_ =	swait.ge @!p0 [sflag:s0], s1  }
0x7a: {  	s1 =	ssub.s32 @!p0 $0x0, s1;
	[sflag:s0] =	ssyncset.done @!p0 $0x0  }
0x7b: {  	[sflag:s0] =	ssyncadd.s32 @!p0 s1  }
0x7c: {  	[bflag:$0x3] =	sbarrier.arrive $0xFFFF  }
0x7d: {  	_ =	shalt  }

</sc_bundles>
